<compile_context>
chip_gen: v7x
topology: tpu7x:2x2x1
jax: 0.10.2.dev20260603
libtpu: 0.0.44.dev20260713+nightly
codegen_flags: <defaults>
</compile_context>

<pallas_src>
import functools

import jax
import jax.numpy as jnp
from jax import lax
from jax.experimental import pallas as pl
from jax.experimental.pallas import tpu as pltpu
from jax.experimental.pallas import tpu_sc as plsc

V = 1000000
D = 64
B = 16384
L = 50

_info = plsc.get_sparse_core_info()
NC = _info.num_cores
NS = _info.num_subcores
NW = NC * NS
BPW = B // NW
NSLOT = 16

_mesh = plsc.VectorSubcoreMesh(core_axis_name="c", subcore_axis_name="s")


@functools.partial(
    pl.kernel,
    mesh=_mesh,
    compiler_params=pltpu.CompilerParams(use_tc_tiling_on_sc=False),
    out_type=jax.ShapeDtypeStruct((B, L, D), jnp.float32),
    scratch_types=[
        pltpu.VMEM((BPW, L), jnp.int32),
        pltpu.VMEM((NSLOT, L, D), jnp.float32),
        pltpu.SemaphoreType.DMA,
        pltpu.SemaphoreType.DMA,
    ],
)
def _emb_lookup(idx_hbm, table_hbm, out_hbm, idx_v, rows_v, gsem, wsem):
    wid = lax.axis_index("s") * NC + lax.axis_index("c")
    base = wid * BPW
    pltpu.sync_copy(idx_hbm.at[pl.ds(base, BPW)], idx_v)

    def gather(b, slot):
        pltpu.async_copy(table_hbm.at[idx_v.at[b]], rows_v.at[slot], gsem)

    def wait_write():
        pltpu.make_async_copy(rows_v.at[0], out_hbm.at[base], wsem).wait()

    for p in range(NSLOT - 1):
        gather(p, p)

    def body(b, carry):
        slot = lax.rem(b, NSLOT)

        @pl.when(b + NSLOT - 1 < BPW)
        def _():
            sp = lax.rem(b + NSLOT - 1, NSLOT)

            @pl.when(b >= 1)
            def _():
                wait_write()

            gather(b + NSLOT - 1, sp)

        pltpu.make_async_copy(
            table_hbm.at[idx_v.at[b]], rows_v.at[slot], gsem).wait()
        pltpu.async_copy(rows_v.at[slot], out_hbm.at[base + b], wsem)
        return carry

    lax.fori_loop(0, BPW, body, 0)

    for _ in range(NSLOT):
        wait_write()


def kernel(indices, table):
    return _emb_lookup(indices.astype(jnp.int32), table)

# --- scband reference (transcript-rebuilt; emitter-appended) ---
"""Pipeline reference for scband-embedding-66391604461657 (READ-ONLY COPY).

The authoritative reference and input builder live on the scoring server;
editing this copy changes nothing except your own understanding.
"""

import jax, jax.numpy as jnp
import numpy as np

V = 1000000
D = 64
B = 16384
L = 50

def setup_inputs(seed: int = 0) -> dict:
    key = jax.random.key(seed)
    k_idx, k_tab = jax.random.split(key)
    indices = jax.random.randint(k_idx, (B, L), 0, V, dtype=jnp.int64 if jax.config.jax_enable_x64 else jnp.int32)
    # model_type='rand': weight ~ Uniform(-0.25, 0.25), trainable
    table = jax.random.uniform(k_tab, (V, D), minval=-0.25, maxval=0.25, dtype=jnp.float32)
    return {"indices": indices, "table": table}

def reference(indices, table):
    # nn.Embedding lookup: gather rows of the table by index.
    # model_type='rand' -> a single embedding channel.
    out = jnp.take(table, indices, axis=0)  # [B, L, D]
    return out

if __name__ == "__main__":
    import jax
    _d = setup_inputs()
    print(jax.jit(kernel)(*tuple(_d.values())))

</pallas_src>

<mosaic_0001>
#map = affine_map<(d0, d1) -> (0, 0)>
#map1 = affine_map<(d0, d1) -> (0, 0, 0)>
module attributes {stable_mosaic.version = 14 : i64} {
  func.func @_emb_lookup(%arg0: i32, %arg1: i32, %arg2: memref<16384x50xi32, #tpu.memory_space<hbm>>, %arg3: memref<1000000x64xf32, #tpu.memory_space<hbm>>, %arg4: memref<16384x50x64xf32, #tpu.memory_space<hbm>>, %arg5: memref<512x50xi32, #tpu.memory_space<vmem>>, %arg6: memref<16x50x64xf32, #tpu.memory_space<vmem>>, %arg7: memref<!tpu.dma_semaphore, #tpu.memory_space<semaphore_mem>>, %arg8: memref<!tpu.dma_semaphore, #tpu.memory_space<semaphore_mem>>) attributes {dimension_semantics = [#tpu.dimension_semantics<core_parallel>, #tpu.dimension_semantics<subcore_parallel>], iteration_bounds = array<i64: 2, 16>, scalar_prefetch = 0 : i64, scratch_operands = 4 : i64, tpu.core_type = #tpu.core_type<sc_vector_subcore>, window_params = [{transform_indices = #map}, {transform_indices = #map}, {transform_indices = #map1}]} {
    %mul3A = arith.constant 2 : i32
    %mul3A_0 = arith.muli %arg1, %mul3A : i32
    %add3A = arith.addi %mul3A_0, %arg0 : i32
    %mul3A_1 = arith.constant 512 : i32
    %mul3A_2 = arith.muli %add3A, %mul3A_1 : i32
    "tpu.region"() ({
      %run_scoped3A = tpu.sem_alloc : memref<!tpu.dma_semaphore, #tpu.memory_space<semaphore_mem>>
      %dma_start3A_458 = arith.constant 0 : i32
      %dma_start3A_459 = tpu.memref_slice %arg2[%mul3A_2, %dma_start3A_458] : memref<16384x50xi32, #tpu.memory_space<hbm>> -> memref<512x50xi32, #tpu.memory_space<hbm>>
      %dma_start3A_460 = arith.constant 0 : i32
      %dma_start3A_461 = tpu.memref_slice %arg2[%mul3A_2, %dma_start3A_460] : memref<16384x50xi32, #tpu.memory_space<hbm>> -> memref<512x50xi32, #tpu.memory_space<hbm>>
      tpu.enqueue_dma source(%dma_start3A_461 : memref<512x50xi32, #tpu.memory_space<hbm>>) target(%arg5 : memref<512x50xi32, #tpu.memory_space<vmem>>) target_semaphore(%run_scoped3A : memref<!tpu.dma_semaphore, #tpu.memory_space<semaphore_mem>>)
      %dma_wait3A_462 = arith.constant 0 : i32
      %dma_wait3A_463 = tpu.memref_slice %arg2[%mul3A_2, %dma_wait3A_462] : memref<16384x50xi32, #tpu.memory_space<hbm>> -> memref<512x50xi32, #tpu.memory_space<hbm>>
      %dma_wait3A_464 = arith.constant 0 : i32
      %dma_wait3A_465 = tpu.memref_slice %arg2[%mul3A_2, %dma_wait3A_464] : memref<16384x50xi32, #tpu.memory_space<hbm>> -> memref<512x50xi32, #tpu.memory_space<hbm>>
      tpu.wait_dma2 semaphore(%run_scoped3A : memref<!tpu.dma_semaphore, #tpu.memory_space<semaphore_mem>>) src(%dma_wait3A_465 : memref<512x50xi32, #tpu.memory_space<hbm>>) dst(%arg5 : memref<512x50xi32, #tpu.memory_space<vmem>>)
      tpu.yield
    }) : () -> ()
    %dma_start3A = arith.constant 0 : i32
    %dma_start3A_3 = arith.constant 0 : i32
    %dma_start3A_4 = arith.constant 0 : i32
    %dma_start3A_5 = arith.constant 0 : i32
    %dma_start3A_6 = tpu.memref_slice %arg6[%dma_start3A_3, %dma_start3A_4, %dma_start3A_5] : memref<16x50x64xf32, #tpu.memory_space<vmem>> -> memref<1x50x64xf32, #tpu.memory_space<vmem>>
    %dma_start3A_7 = tpu.memref_squeeze %dma_start3A_6 : memref<1x50x64xf32, #tpu.memory_space<vmem>> -> memref<50x64xf32, #tpu.memory_space<vmem>>
    %dma_start3A_8 = arith.constant 0 : i32
    %dma_start3A_9 = tpu.memref_slice %arg5[%dma_start3A, %dma_start3A_8] : memref<512x50xi32, #tpu.memory_space<vmem>> -> memref<1x50xi32, #tpu.memory_space<vmem>>
    %dma_start3A_10 = tpu.memref_squeeze %dma_start3A_9 : memref<1x50xi32, #tpu.memory_space<vmem>> -> memref<50xi32, #tpu.memory_space<vmem>>
    %dma_start3A_11 = arith.constant 0 : i32
    %dma_start3A_12 = arith.constant 0 : i32
    %dma_start3A_13 = tpu.memref_slice %arg3[%dma_start3A_11, %dma_start3A_12] : memref<1000000x64xf32, #tpu.memory_space<hbm>> -> memref<1000000x64xf32, #tpu.memory_space<hbm>>
    tpu.enqueue_indirect_dma source(%dma_start3A_13 : memref<1000000x64xf32, #tpu.memory_space<hbm>>) target(%dma_start3A_7 : memref<50x64xf32, #tpu.memory_space<vmem>>) offsets(%dma_start3A_10 : memref<50xi32, #tpu.memory_space<vmem>>) semaphore(%arg7 : memref<!tpu.dma_semaphore, #tpu.memory_space<semaphore_mem>>)
    %dma_start3A_14 = arith.constant 1 : i32
    %dma_start3A_15 = arith.constant 1 : i32
    %dma_start3A_16 = arith.constant 0 : i32
    %dma_start3A_17 = arith.constant 0 : i32
    %dma_start3A_18 = tpu.memref_slice %arg6[%dma_start3A_15, %dma_start3A_16, %dma_start3A_17] : memref<16x50x64xf32, #tpu.memory_space<vmem>> -> memref<1x50x64xf32, #tpu.memory_space<vmem>>
    %dma_start3A_19 = tpu.memref_squeeze %dma_start3A_18 : memref<1x50x64xf32, #tpu.memory_space<vmem>> -> memref<50x64xf32, #tpu.memory_space<vmem>>
    %dma_start3A_20 = arith.constant 0 : i32
    %dma_start3A_21 = tpu.memref_slice %arg5[%dma_start3A_14, %dma_start3A_20] : memref<512x50xi32, #tpu.memory_space<vmem>> -> memref<1x50xi32, #tpu.memory_space<vmem>>
    %dma_start3A_22 = tpu.memref_squeeze %dma_start3A_21 : memref<1x50xi32, #tpu.memory_space<vmem>> -> memref<50xi32, #tpu.memory_space<vmem>>
    %dma_start3A_23 = arith.constant 0 : i32
    %dma_start3A_24 = arith.constant 0 : i32
    %dma_start3A_25 = tpu.memref_slice %arg3[%dma_start3A_23, %dma_start3A_24] : memref<1000000x64xf32, #tpu.memory_space<hbm>> -> memref<1000000x64xf32, #tpu.memory_space<hbm>>
    tpu.enqueue_indirect_dma source(%dma_start3A_25 : memref<1000000x64xf32, #tpu.memory_space<hbm>>) target(%dma_start3A_19 : memref<50x64xf32, #tpu.memory_space<vmem>>) offsets(%dma_start3A_22 : memref<50xi32, #tpu.memory_space<vmem>>) semaphore(%arg7 : memref<!tpu.dma_semaphore, #tpu.memory_space<semaphore_mem>>)
    %dma_start3A_26 = arith.constant 2 : i32
    %dma_start3A_27 = arith.constant 2 : i32
    %dma_start3A_28 = arith.constant 0 : i32
    %dma_start3A_29 = arith.constant 0 : i32
    %dma_start3A_30 = tpu.memref_slice %arg6[%dma_start3A_27, %dma_start3A_28, %dma_start3A_29] : memref<16x50x64xf32, #tpu.memory_space<vmem>> -> memref<1x50x64xf32, #tpu.memory_space<vmem>>
    %dma_start3A_31 = tpu.memref_squeeze %dma_start3A_30 : memref<1x50x64xf32, #tpu.memory_space<vmem>> -> memref<50x64xf32, #tpu.memory_space<vmem>>
    %dma_start3A_32 = arith.constant 0 : i32
    %dma_start3A_33 = tpu.memref_slice %arg5[%dma_start3A_26, %dma_start3A_32] : memref<512x50xi32, #tpu.memory_space<vmem>> -> memref<1x50xi32, #tpu.memory_space<vmem>>
    %dma_start3A_34 = tpu.memref_squeeze %dma_start3A_33 : memref<1x50xi32, #tpu.memory_space<vmem>> -> memref<50xi32, #tpu.memory_space<vmem>>
    %dma_start3A_35 = arith.constant 0 : i32
    %dma_start3A_36 = arith.constant 0 : i32
    %dma_start3A_37 = tpu.memref_slice %arg3[%dma_start3A_35, %dma_start3A_36] : memref<1000000x64xf32, #tpu.memory_space<hbm>> -> memref<1000000x64xf32, #tpu.memory_space<hbm>>
    tpu.enqueue_indirect_dma source(%dma_start3A_37 : memref<1000000x64xf32, #tpu.memory_space<hbm>>) target(%dma_start3A_31 : memref<50x64xf32, #tpu.memory_space<vmem>>) offsets(%dma_start3A_34 : memref<50xi32, #tpu.memory_space<vmem>>) semaphore(%arg7 : memref<!tpu.dma_semaphore, #tpu.memory_space<semaphore_mem>>)
    %dma_start3A_38 = arith.constant 3 : i32
    %dma_start3A_39 = arith.constant 3 : i32
    %dma_start3A_40 = arith.constant 0 : i32
    %dma_start3A_41 = arith.constant 0 : i32
    %dma_start3A_42 = tpu.memref_slice %arg6[%dma_start3A_39, %dma_start3A_40, %dma_start3A_41] : memref<16x50x64xf32, #tpu.memory_space<vmem>> -> memref<1x50x64xf32, #tpu.memory_space<vmem>>
    %dma_start3A_43 = tpu.memref_squeeze %dma_start3A_42 : memref<1x50x64xf32, #tpu.memory_space<vmem>> -> memref<50x64xf32, #tpu.memory_space<vmem>>
    %dma_start3A_44 = arith.constant 0 : i32
    %dma_start3A_45 = tpu.memref_slice %arg5[%dma_start3A_38, %dma_start3A_44] : memref<512x50xi32, #tpu.memory_space<vmem>> -> memref<1x50xi32, #tpu.memory_space<vmem>>
    %dma_start3A_46 = tpu.memref_squeeze %dma_start3A_45 : memref<1x50xi32, #tpu.memory_space<vmem>> -> memref<50xi32, #tpu.memory_space<vmem>>
    %dma_start3A_47 = arith.constant 0 : i32
    %dma_start3A_48 = arith.constant 0 : i32
    %dma_start3A_49 = tpu.memref_slice %arg3[%dma_start3A_47, %dma_start3A_48] : memref<1000000x64xf32, #tpu.memory_space<hbm>> -> memref<1000000x64xf32, #tpu.memory_space<hbm>>
    tpu.enqueue_indirect_dma source(%dma_start3A_49 : memref<1000000x64xf32, #tpu.memory_space<hbm>>) target(%dma_start3A_43 : memref<50x64xf32, #tpu.memory_space<vmem>>) offsets(%dma_start3A_46 : memref<50xi32, #tpu.memory_space<vmem>>) semaphore(%arg7 : memref<!tpu.dma_semaphore, #tpu.memory_space<semaphore_mem>>)
    %dma_start3A_50 = arith.constant 4 : i32
    %dma_start3A_51 = arith.constant 4 : i32
    %dma_start3A_52 = arith.constant 0 : i32
    %dma_start3A_53 = arith.constant 0 : i32
    %dma_start3A_54 = tpu.memref_slice %arg6[%dma_start3A_51, %dma_start3A_52, %dma_start3A_53] : memref<16x50x64xf32, #tpu.memory_space<vmem>> -> memref<1x50x64xf32, #tpu.memory_space<vmem>>
    %dma_start3A_55 = tpu.memref_squeeze %dma_start3A_54 : memref<1x50x64xf32, #tpu.memory_space<vmem>> -> memref<50x64xf32, #tpu.memory_space<vmem>>
    %dma_start3A_56 = arith.constant 0 : i32
    %dma_start3A_57 = tpu.memref_slice %arg5[%dma_start3A_50, %dma_start3A_56] : memref<512x50xi32, #tpu.memory_space<vmem>> -> memref<1x50xi32, #tpu.memory_space<vmem>>
    %dma_start3A_58 = tpu.memref_squeeze %dma_start3A_57 : memref<1x50xi32, #tpu.memory_space<vmem>> -> memref<50xi32, #tpu.memory_space<vmem>>
    %dma_start3A_59 = arith.constant 0 : i32
    %dma_start3A_60 = arith.constant 0 : i32
    %dma_start3A_61 = tpu.memref_slice %arg3[%dma_start3A_59, %dma_start3A_60] : memref<1000000x64xf32, #tpu.memory_space<hbm>> -> memref<1000000x64xf32, #tpu.memory_space<hbm>>
    tpu.enqueue_indirect_dma source(%dma_start3A_61 : memref<1000000x64xf32, #tpu.memory_space<hbm>>) target(%dma_start3A_55 : memref<50x64xf32, #tpu.memory_space<vmem>>) offsets(%dma_start3A_58 : memref<50xi32, #tpu.memory_space<vmem>>) semaphore(%arg7 : memref<!tpu.dma_semaphore, #tpu.memory_space<semaphore_mem>>)
    %dma_start3A_62 = arith.constant 5 : i32
    %dma_start3A_63 = arith.constant 5 : i32
    %dma_start3A_64 = arith.constant 0 : i32
    %dma_start3A_65 = arith.constant 0 : i32
    %dma_start3A_66 = tpu.memref_slice %arg6[%dma_start3A_63, %dma_start3A_64, %dma_start3A_65] : memref<16x50x64xf32, #tpu.memory_space<vmem>> -> memref<1x50x64xf32, #tpu.memory_space<vmem>>
    %dma_start3A_67 = tpu.memref_squeeze %dma_start3A_66 : memref<1x50x64xf32, #tpu.memory_space<vmem>> -> memref<50x64xf32, #tpu.memory_space<vmem>>
    %dma_start3A_68 = arith.constant 0 : i32
    %dma_start3A_69 = tpu.memref_slice %arg5[%dma_start3A_62, %dma_start3A_68] : memref<512x50xi32, #tpu.memory_space<vmem>> -> memref<1x50xi32, #tpu.memory_space<vmem>>
    %dma_start3A_70 = tpu.memref_squeeze %dma_start3A_69 : memref<1x50xi32, #tpu.memory_space<vmem>> -> memref<50xi32, #tpu.memory_space<vmem>>
    %dma_start3A_71 = arith.constant 0 : i32
    %dma_start3A_72 = arith.constant 0 : i32
    %dma_start3A_73 = tpu.memref_slice %arg3[%dma_start3A_71, %dma_start3A_72] : memref<1000000x64xf32, #tpu.memory_space<hbm>> -> memref<1000000x64xf32, #tpu.memory_space<hbm>>
    tpu.enqueue_indirect_dma source(%dma_start3A_73 : memref<1000000x64xf32, #tpu.memory_space<hbm>>) target(%dma_start3A_67 : memref<50x64xf32, #tpu.memory_space<vmem>>) offsets(%dma_start3A_70 : memref<50xi32, #tpu.memory_space<vmem>>) semaphore(%arg7 : memref<!tpu.dma_semaphore, #tpu.memory_space<semaphore_mem>>)
    %dma_start3A_74 = arith.constant 6 : i32
    %dma_start3A_75 = arith.constant 6 : i32
    %dma_start3A_76 = arith.constant 0 : i32
    %dma_start3A_77 = arith.constant 0 : i32
    %dma_start3A_78 = tpu.memref_slice %arg6[%dma_start3A_75, %dma_start3A_76, %dma_start3A_77] : memref<16x50x64xf32, #tpu.memory_space<vmem>> -> memref<1x50x64xf32, #tpu.memory_space<vmem>>
    %dma_start3A_79 = tpu.memref_squeeze %dma_start3A_78 : memref<1x50x64xf32, #tpu.memory_space<vmem>> -> memref<50x64xf32, #tpu.memory_space<vmem>>
    %dma_start3A_80 = arith.constant 0 : i32
    %dma_start3A_81 = tpu.memref_slice %arg5[%dma_start3A_74, %dma_start3A_80] : memref<512x50xi32, #tpu.memory_space<vmem>> -> memref<1x50xi32, #tpu.memory_space<vmem>>
    %dma_start3A_82 = tpu.memref_squeeze %dma_start3A_81 : memref<1x50xi32, #tpu.memory_space<vmem>> -> memref<50xi32, #tpu.memory_space<vmem>>
    %dma_start3A_83 = arith.constant 0 : i32
    %dma_start3A_84 = arith.constant 0 : i32
    %dma_start3A_85 = tpu.memref_slice %arg3[%dma_start3A_83, %dma_start3A_84] : memref<1000000x64xf32, #tpu.memory_space<hbm>> -> memref<1000000x64xf32, #tpu.memory_space<hbm>>
    tpu.enqueue_indirect_dma source(%dma_start3A_85 : memref<1000000x64xf32, #tpu.memory_space<hbm>>) target(%dma_start3A_79 : memref<50x64xf32, #tpu.memory_space<vmem>>) offsets(%dma_start3A_82 : memref<50xi32, #tpu.memory_space<vmem>>) semaphore(%arg7 : memref<!tpu.dma_semaphore, #tpu.memory_space<semaphore_mem>>)
    %dma_start3A_86 = arith.constant 7 : i32
    %dma_start3A_87 = arith.constant 7 : i32
    %dma_start3A_88 = arith.constant 0 : i32
    %dma_start3A_89 = arith.constant 0 : i32
    %dma_start3A_90 = tpu.memref_slice %arg6[%dma_start3A_87, %dma_start3A_88, %dma_start3A_89] : memref<16x50x64xf32, #tpu.memory_space<vmem>> -> memref<1x50x64xf32, #tpu.memory_space<vmem>>
    %dma_start3A_91 = tpu.memref_squeeze %dma_start3A_90 : memref<1x50x64xf32, #tpu.memory_space<vmem>> -> memref<50x64xf32, #tpu.memory_space<vmem>>
    %dma_start3A_92 = arith.constant 0 : i32
    %dma_start3A_93 = tpu.memref_slice %arg5[%dma_start3A_86, %dma_start3A_92] : memref<512x50xi32, #tpu.memory_space<vmem>> -> memref<1x50xi32, #tpu.memory_space<vmem>>
    %dma_start3A_94 = tpu.memref_squeeze %dma_start3A_93 : memref<1x50xi32, #tpu.memory_space<vmem>> -> memref<50xi32, #tpu.memory_space<vmem>>
    %dma_start3A_95 = arith.constant 0 : i32
    %dma_start3A_96 = arith.constant 0 : i32
    %dma_start3A_97 = tpu.memref_slice %arg3[%dma_start3A_95, %dma_start3A_96] : memref<1000000x64xf32, #tpu.memory_space<hbm>> -> memref<1000000x64xf32, #tpu.memory_space<hbm>>
    tpu.enqueue_indirect_dma source(%dma_start3A_97 : memref<1000000x64xf32, #tpu.memory_space<hbm>>) target(%dma_start3A_91 : memref<50x64xf32, #tpu.memory_space<vmem>>) offsets(%dma_start3A_94 : memref<50xi32, #tpu.memory_space<vmem>>) semaphore(%arg7 : memref<!tpu.dma_semaphore, #tpu.memory_space<semaphore_mem>>)
    %dma_start3A_98 = arith.constant 8 : i32
    %dma_start3A_99 = arith.constant 8 : i32
    %dma_start3A_100 = arith.constant 0 : i32
    %dma_start3A_101 = arith.constant 0 : i32
    %dma_start3A_102 = tpu.memref_slice %arg6[%dma_start3A_99, %dma_start3A_100, %dma_start3A_101] : memref<16x50x64xf32, #tpu.memory_space<vmem>> -> memref<1x50x64xf32, #tpu.memory_space<vmem>>
    %dma_start3A_103 = tpu.memref_squeeze %dma_start3A_102 : memref<1x50x64xf32, #tpu.memory_space<vmem>> -> memref<50x64xf32, #tpu.memory_space<vmem>>
    %dma_start3A_104 = arith.constant 0 : i32
    %dma_start3A_105 = tpu.memref_slice %arg5[%dma_start3A_98, %dma_start3A_104] : memref<512x50xi32, #tpu.memory_space<vmem>> -> memref<1x50xi32, #tpu.memory_space<vmem>>
    %dma_start3A_106 = tpu.memref_squeeze %dma_start3A_105 : memref<1x50xi32, #tpu.memory_space<vmem>> -> memref<50xi32, #tpu.memory_space<vmem>>
    %dma_start3A_107 = arith.constant 0 : i32
    %dma_start3A_108 = arith.constant 0 : i32
    %dma_start3A_109 = tpu.memref_slice %arg3[%dma_start3A_107, %dma_start3A_108] : memref<1000000x64xf32, #tpu.memory_space<hbm>> -> memref<1000000x64xf32, #tpu.memory_space<hbm>>
    tpu.enqueue_indirect_dma source(%dma_start3A_109 : memref<1000000x64xf32, #tpu.memory_space<hbm>>) target(%dma_start3A_103 : memref<50x64xf32, #tpu.memory_space<vmem>>) offsets(%dma_start3A_106 : memref<50xi32, #tpu.memory_space<vmem>>) semaphore(%arg7 : memref<!tpu.dma_semaphore, #tpu.memory_space<semaphore_mem>>)
    %dma_start3A_110 = arith.constant 9 : i32
    %dma_start3A_111 = arith.constant 9 : i32
    %dma_start3A_112 = arith.constant 0 : i32
    %dma_start3A_113 = arith.constant 0 : i32
    %dma_start3A_114 = tpu.memref_slice %arg6[%dma_start3A_111, %dma_start3A_112, %dma_start3A_113] : memref<16x50x64xf32, #tpu.memory_space<vmem>> -> memref<1x50x64xf32, #tpu.memory_space<vmem>>
    %dma_start3A_115 = tpu.memref_squeeze %dma_start3A_114 : memref<1x50x64xf32, #tpu.memory_space<vmem>> -> memref<50x64xf32, #tpu.memory_space<vmem>>
    %dma_start3A_116 = arith.constant 0 : i32
    %dma_start3A_117 = tpu.memref_slice %arg5[%dma_start3A_110, %dma_start3A_116] : memref<512x50xi32, #tpu.memory_space<vmem>> -> memref<1x50xi32, #tpu.memory_space<vmem>>
    %dma_start3A_118 = tpu.memref_squeeze %dma_start3A_117 : memref<1x50xi32, #tpu.memory_space<vmem>> -> memref<50xi32, #tpu.memory_space<vmem>>
    %dma_start3A_119 = arith.constant 0 : i32
    %dma_start3A_120 = arith.constant 0 : i32
    %dma_start3A_121 = tpu.memref_slice %arg3[%dma_start3A_119, %dma_start3A_120] : memref<1000000x64xf32, #tpu.memory_space<hbm>> -> memref<1000000x64xf32, #tpu.memory_space<hbm>>
    tpu.enqueue_indirect_dma source(%dma_start3A_121 : memref<1000000x64xf32, #tpu.memory_space<hbm>>) target(%dma_start3A_115 : memref<50x64xf32, #tpu.memory_space<vmem>>) offsets(%dma_start3A_118 : memref<50xi32, #tpu.memory_space<vmem>>) semaphore(%arg7 : memref<!tpu.dma_semaphore, #tpu.memory_space<semaphore_mem>>)
    %dma_start3A_122 = arith.constant 10 : i32
    %dma_start3A_123 = arith.constant 10 : i32
    %dma_start3A_124 = arith.constant 0 : i32
    %dma_start3A_125 = arith.constant 0 : i32
    %dma_start3A_126 = tpu.memref_slice %arg6[%dma_start3A_123, %dma_start3A_124, %dma_start3A_125] : memref<16x50x64xf32, #tpu.memory_space<vmem>> -> memref<1x50x64xf32, #tpu.memory_space<vmem>>
    %dma_start3A_127 = tpu.memref_squeeze %dma_start3A_126 : memref<1x50x64xf32, #tpu.memory_space<vmem>> -> memref<50x64xf32, #tpu.memory_space<vmem>>
    %dma_start3A_128 = arith.constant 0 : i32
    %dma_start3A_129 = tpu.memref_slice %arg5[%dma_start3A_122, %dma_start3A_128] : memref<512x50xi32, #tpu.memory_space<vmem>> -> memref<1x50xi32, #tpu.memory_space<vmem>>
    %dma_start3A_130 = tpu.memref_squeeze %dma_start3A_129 : memref<1x50xi32, #tpu.memory_space<vmem>> -> memref<50xi32, #tpu.memory_space<vmem>>
    %dma_start3A_131 = arith.constant 0 : i32
    %dma_start3A_132 = arith.constant 0 : i32
    %dma_start3A_133 = tpu.memref_slice %arg3[%dma_start3A_131, %dma_start3A_132] : memref<1000000x64xf32, #tpu.memory_space<hbm>> -> memref<1000000x64xf32, #tpu.memory_space<hbm>>
    tpu.enqueue_indirect_dma source(%dma_start3A_133 : memref<1000000x64xf32, #tpu.memory_space<hbm>>) target(%dma_start3A_127 : memref<50x64xf32, #tpu.memory_space<vmem>>) offsets(%dma_start3A_130 : memref<50xi32, #tpu.memory_space<vmem>>) semaphore(%arg7 : memref<!tpu.dma_semaphore, #tpu.memory_space<semaphore_mem>>)
    %dma_start3A_134 = arith.constant 11 : i32
    %dma_start3A_135 = arith.constant 11 : i32
    %dma_start3A_136 = arith.constant 0 : i32
    %dma_start3A_137 = arith.constant 0 : i32
    %dma_start3A_138 = tpu.memref_slice %arg6[%dma_start3A_135, %dma_start3A_136, %dma_start3A_137] : memref<16x50x64xf32, #tpu.memory_space<vmem>> -> memref<1x50x64xf32, #tpu.memory_space<vmem>>
    %dma_start3A_139 = tpu.memref_squeeze %dma_start3A_138 : memref<1x50x64xf32, #tpu.memory_space<vmem>> -> memref<50x64xf32, #tpu.memory_space<vmem>>
    %dma_start3A_140 = arith.constant 0 : i32
    %dma_start3A_141 = tpu.memref_slice %arg5[%dma_start3A_134, %dma_start3A_140] : memref<512x50xi32, #tpu.memory_space<vmem>> -> memref<1x50xi32, #tpu.memory_space<vmem>>
    %dma_start3A_142 = tpu.memref_squeeze %dma_start3A_141 : memref<1x50xi32, #tpu.memory_space<vmem>> -> memref<50xi32, #tpu.memory_space<vmem>>
    %dma_start3A_143 = arith.constant 0 : i32
    %dma_start3A_144 = arith.constant 0 : i32
    %dma_start3A_145 = tpu.memref_slice %arg3[%dma_start3A_143, %dma_start3A_144] : memref<1000000x64xf32, #tpu.memory_space<hbm>> -> memref<1000000x64xf32, #tpu.memory_space<hbm>>
    tpu.enqueue_indirect_dma source(%dma_start3A_145 : memref<1000000x64xf32, #tpu.memory_space<hbm>>) target(%dma_start3A_139 : memref<50x64xf32, #tpu.memory_space<vmem>>) offsets(%dma_start3A_142 : memref<50xi32, #tpu.memory_space<vmem>>) semaphore(%arg7 : memref<!tpu.dma_semaphore, #tpu.memory_space<semaphore_mem>>)
    %dma_start3A_146 = arith.constant 12 : i32
    %dma_start3A_147 = arith.constant 12 : i32
    %dma_start3A_148 = arith.constant 0 : i32
    %dma_start3A_149 = arith.constant 0 : i32
    %dma_start3A_150 = tpu.memref_slice %arg6[%dma_start3A_147, %dma_start3A_148, %dma_start3A_149] : memref<16x50x64xf32, #tpu.memory_space<vmem>> -> memref<1x50x64xf32, #tpu.memory_space<vmem>>
    %dma_start3A_151 = tpu.memref_squeeze %dma_start3A_150 : memref<1x50x64xf32, #tpu.memory_space<vmem>> -> memref<50x64xf32, #tpu.memory_space<vmem>>
    %dma_start3A_152 = arith.constant 0 : i32
    %dma_start3A_153 = tpu.memref_slice %arg5[%dma_start3A_146, %dma_start3A_152] : memref<512x50xi32, #tpu.memory_space<vmem>> -> memref<1x50xi32, #tpu.memory_space<vmem>>
    %dma_start3A_154 = tpu.memref_squeeze %dma_start3A_153 : memref<1x50xi32, #tpu.memory_space<vmem>> -> memref<50xi32, #tpu.memory_space<vmem>>
    %dma_start3A_155 = arith.constant 0 : i32
    %dma_start3A_156 = arith.constant 0 : i32
    %dma_start3A_157 = tpu.memref_slice %arg3[%dma_start3A_155, %dma_start3A_156] : memref<1000000x64xf32, #tpu.memory_space<hbm>> -> memref<1000000x64xf32, #tpu.memory_space<hbm>>
    tpu.enqueue_indirect_dma source(%dma_start3A_157 : memref<1000000x64xf32, #tpu.memory_space<hbm>>) target(%dma_start3A_151 : memref<50x64xf32, #tpu.memory_space<vmem>>) offsets(%dma_start3A_154 : memref<50xi32, #tpu.memory_space<vmem>>) semaphore(%arg7 : memref<!tpu.dma_semaphore, #tpu.memory_space<semaphore_mem>>)
    %dma_start3A_158 = arith.constant 13 : i32
    %dma_start3A_159 = arith.constant 13 : i32
    %dma_start3A_160 = arith.constant 0 : i32
    %dma_start3A_161 = arith.constant 0 : i32
    %dma_start3A_162 = tpu.memref_slice %arg6[%dma_start3A_159, %dma_start3A_160, %dma_start3A_161] : memref<16x50x64xf32, #tpu.memory_space<vmem>> -> memref<1x50x64xf32, #tpu.memory_space<vmem>>
    %dma_start3A_163 = tpu.memref_squeeze %dma_start3A_162 : memref<1x50x64xf32, #tpu.memory_space<vmem>> -> memref<50x64xf32, #tpu.memory_space<vmem>>
    %dma_start3A_164 = arith.constant 0 : i32
    %dma_start3A_165 = tpu.memref_slice %arg5[%dma_start3A_158, %dma_start3A_164] : memref<512x50xi32, #tpu.memory_space<vmem>> -> memref<1x50xi32, #tpu.memory_space<vmem>>
    %dma_start3A_166 = tpu.memref_squeeze %dma_start3A_165 : memref<1x50xi32, #tpu.memory_space<vmem>> -> memref<50xi32, #tpu.memory_space<vmem>>
    %dma_start3A_167 = arith.constant 0 : i32
    %dma_start3A_168 = arith.constant 0 : i32
    %dma_start3A_169 = tpu.memref_slice %arg3[%dma_start3A_167, %dma_start3A_168] : memref<1000000x64xf32, #tpu.memory_space<hbm>> -> memref<1000000x64xf32, #tpu.memory_space<hbm>>
    tpu.enqueue_indirect_dma source(%dma_start3A_169 : memref<1000000x64xf32, #tpu.memory_space<hbm>>) target(%dma_start3A_163 : memref<50x64xf32, #tpu.memory_space<vmem>>) offsets(%dma_start3A_166 : memref<50xi32, #tpu.memory_space<vmem>>) semaphore(%arg7 : memref<!tpu.dma_semaphore, #tpu.memory_space<semaphore_mem>>)
    %dma_start3A_170 = arith.constant 14 : i32
    %dma_start3A_171 = arith.constant 14 : i32
    %dma_start3A_172 = arith.constant 0 : i32
    %dma_start3A_173 = arith.constant 0 : i32
    %dma_start3A_174 = tpu.memref_slice %arg6[%dma_start3A_171, %dma_start3A_172, %dma_start3A_173] : memref<16x50x64xf32, #tpu.memory_space<vmem>> -> memref<1x50x64xf32, #tpu.memory_space<vmem>>
    %dma_start3A_175 = tpu.memref_squeeze %dma_start3A_174 : memref<1x50x64xf32, #tpu.memory_space<vmem>> -> memref<50x64xf32, #tpu.memory_space<vmem>>
    %dma_start3A_176 = arith.constant 0 : i32
    %dma_start3A_177 = tpu.memref_slice %arg5[%dma_start3A_170, %dma_start3A_176] : memref<512x50xi32, #tpu.memory_space<vmem>> -> memref<1x50xi32, #tpu.memory_space<vmem>>
    %dma_start3A_178 = tpu.memref_squeeze %dma_start3A_177 : memref<1x50xi32, #tpu.memory_space<vmem>> -> memref<50xi32, #tpu.memory_space<vmem>>
    %dma_start3A_179 = arith.constant 0 : i32
    %dma_start3A_180 = arith.constant 0 : i32
    %dma_start3A_181 = tpu.memref_slice %arg3[%dma_start3A_179, %dma_start3A_180] : memref<1000000x64xf32, #tpu.memory_space<hbm>> -> memref<1000000x64xf32, #tpu.memory_space<hbm>>
    tpu.enqueue_indirect_dma source(%dma_start3A_181 : memref<1000000x64xf32, #tpu.memory_space<hbm>>) target(%dma_start3A_175 : memref<50x64xf32, #tpu.memory_space<vmem>>) offsets(%dma_start3A_178 : memref<50xi32, #tpu.memory_space<vmem>>) semaphore(%arg7 : memref<!tpu.dma_semaphore, #tpu.memory_space<semaphore_mem>>)
    %scan3A = arith.constant 0 : i32
    %scan3A_182 = arith.constant 0 : i32
    %scan3A_183 = arith.constant 512 : i32
    %scan3A_184 = arith.addi %scan3A_182, %scan3A_183 : i32
    %scan3A_185 = arith.constant 1 : i32
    scf.for %scan3A_458 = %scan3A_182 to %scan3A_184 step %scan3A_185  : i32 {
      %rem3A = arith.constant 16 : i32
      %rem3A_459 = arith.remsi %scan3A_458, %rem3A : i32
      %add3A_460 = arith.constant 16 : i32
      %add3A_461 = arith.addi %scan3A_458, %add3A_460 : i32
      %sub3A = arith.constant 1 : i32
      %sub3A_462 = arith.subi %add3A_461, %sub3A : i32
      %lt3A = arith.constant 512 : i32
      %lt3A_463 = arith.cmpi slt, %sub3A_462, %lt3A : i32
      %convert_element_type3A = arith.extui %lt3A_463 : i1 to i32
      %cond3A = arith.constant 0 : i32
      %cond3A_464 = arith.cmpi ne, %convert_element_type3A, %cond3A : i32
      scf.if %cond3A_464 {
        %add3A_492 = arith.constant 16 : i32
        %add3A_493 = arith.addi %scan3A_458, %add3A_492 : i32
        %sub3A_494 = arith.constant 1 : i32
        %sub3A_495 = arith.subi %add3A_493, %sub3A_494 : i32
        %rem3A_496 = arith.constant 16 : i32
        %rem3A_497 = arith.remsi %sub3A_495, %rem3A_496 : i32
        %ge3A = arith.constant 1 : i32
        %ge3A_498 = arith.cmpi sge, %scan3A_458, %ge3A : i32
        %convert_element_type3A_499 = arith.extui %ge3A_498 : i1 to i32
        %cond3A_500 = arith.constant 0 : i32
        %cond3A_501 = arith.cmpi ne, %convert_element_type3A_499, %cond3A_500 : i32
        scf.if %cond3A_501 {
          %dma_wait3A_516 = arith.constant 0 : i32
          %dma_wait3A_517 = arith.constant 0 : i32
          %dma_wait3A_518 = arith.constant 0 : i32
          %dma_wait3A_519 = tpu.memref_slice %arg6[%dma_wait3A_516, %dma_wait3A_517, %dma_wait3A_518] : memref<16x50x64xf32, #tpu.memory_space<vmem>> -> memref<1x50x64xf32, #tpu.memory_space<vmem>>
          %dma_wait3A_520 = tpu.memref_squeeze %dma_wait3A_519 : memref<1x50x64xf32, #tpu.memory_space<vmem>> -> memref<50x64xf32, #tpu.memory_space<vmem>>
          %dma_wait3A_521 = arith.constant 0 : i32
          %dma_wait3A_522 = arith.constant 0 : i32
          %dma_wait3A_523 = tpu.memref_slice %arg4[%mul3A_2, %dma_wait3A_521, %dma_wait3A_522] : memref<16384x50x64xf32, #tpu.memory_space<hbm>> -> memref<1x50x64xf32, #tpu.memory_space<hbm>>
          %dma_wait3A_524 = tpu.memref_squeeze %dma_wait3A_523 : memref<1x50x64xf32, #tpu.memory_space<hbm>> -> memref<50x64xf32, #tpu.memory_space<hbm>>
          %dma_wait3A_525 = arith.constant 0 : i32
          %dma_wait3A_526 = arith.constant 0 : i32
          %dma_wait3A_527 = tpu.memref_slice %arg4[%mul3A_2, %dma_wait3A_525, %dma_wait3A_526] : memref<16384x50x64xf32, #tpu.memory_space<hbm>> -> memref<1x50x64xf32, #tpu.memory_space<hbm>>
          %dma_wait3A_528 = tpu.memref_squeeze %dma_wait3A_527 : memref<1x50x64xf32, #tpu.memory_space<hbm>> -> memref<50x64xf32, #tpu.memory_space<hbm>>
          %dma_wait3A_529 = arith.constant 0 : i32
          %dma_wait3A_530 = arith.constant 0 : i32
          %dma_wait3A_531 = tpu.memref_slice %arg6[%dma_wait3A_516, %dma_wait3A_529, %dma_wait3A_530] : memref<16x50x64xf32, #tpu.memory_space<vmem>> -> memref<1x50x64xf32, #tpu.memory_space<vmem>>
          %dma_wait3A_532 = tpu.memref_squeeze %dma_wait3A_531 : memref<1x50x64xf32, #tpu.memory_space<vmem>> -> memref<50x64xf32, #tpu.memory_space<vmem>>
          tpu.wait_dma2 semaphore(%arg8 : memref<!tpu.dma_semaphore, #tpu.memory_space<semaphore_mem>>) src(%dma_wait3A_532 : memref<50x64xf32, #tpu.memory_space<vmem>>) dst(%dma_wait3A_528 : memref<50x64xf32, #tpu.memory_space<hbm>>)
        } else {
        }
        %add3A_502 = arith.constant 16 : i32
        %add3A_503 = arith.addi %scan3A_458, %add3A_502 : i32
        %sub3A_504 = arith.constant 1 : i32
        %sub3A_505 = arith.subi %add3A_503, %sub3A_504 : i32
        %dma_start3A_506 = arith.constant 0 : i32
        %dma_start3A_507 = arith.constant 0 : i32
        %dma_start3A_508 = tpu.memref_slice %arg6[%rem3A_497, %dma_start3A_506, %dma_start3A_507] : memref<16x50x64xf32, #tpu.memory_space<vmem>> -> memref<1x50x64xf32, #tpu.memory_space<vmem>>
        %dma_start3A_509 = tpu.memref_squeeze %dma_start3A_508 : memref<1x50x64xf32, #tpu.memory_space<vmem>> -> memref<50x64xf32, #tpu.memory_space<vmem>>
        %dma_start3A_510 = arith.constant 0 : i32
        %dma_start3A_511 = tpu.memref_slice %arg5[%sub3A_505, %dma_start3A_510] : memref<512x50xi32, #tpu.memory_space<vmem>> -> memref<1x50xi32, #tpu.memory_space<vmem>>
        %dma_start3A_512 = tpu.memref_squeeze %dma_start3A_511 : memref<1x50xi32, #tpu.memory_space<vmem>> -> memref<50xi32, #tpu.memory_space<vmem>>
        %dma_start3A_513 = arith.constant 0 : i32
        %dma_start3A_514 = arith.constant 0 : i32
        %dma_start3A_515 = tpu.memref_slice %arg3[%dma_start3A_513, %dma_start3A_514] : memref<1000000x64xf32, #tpu.memory_space<hbm>> -> memref<1000000x64xf32, #tpu.memory_space<hbm>>
        tpu.enqueue_indirect_dma source(%dma_start3A_515 : memref<1000000x64xf32, #tpu.memory_space<hbm>>) target(%dma_start3A_509 : memref<50x64xf32, #tpu.memory_space<vmem>>) offsets(%dma_start3A_512 : memref<50xi32, #tpu.memory_space<vmem>>) semaphore(%arg7 : memref<!tpu.dma_semaphore, #tpu.memory_space<semaphore_mem>>)
      } else {
      }
      %dma_wait3A_465 = arith.constant 0 : i32
      %dma_wait3A_466 = arith.constant 0 : i32
      %dma_wait3A_467 = tpu.memref_slice %arg6[%rem3A_459, %dma_wait3A_465, %dma_wait3A_466] : memref<16x50x64xf32, #tpu.memory_space<vmem>> -> memref<1x50x64xf32, #tpu.memory_space<vmem>>
      %dma_wait3A_468 = tpu.memref_squeeze %dma_wait3A_467 : memref<1x50x64xf32, #tpu.memory_space<vmem>> -> memref<50x64xf32, #tpu.memory_space<vmem>>
      %dma_wait3A_469 = arith.constant 0 : i32
      %dma_wait3A_470 = tpu.memref_slice %arg5[%scan3A_458, %dma_wait3A_469] : memref<512x50xi32, #tpu.memory_space<vmem>> -> memref<1x50xi32, #tpu.memory_space<vmem>>
      %dma_wait3A_471 = tpu.memref_squeeze %dma_wait3A_470 : memref<1x50xi32, #tpu.memory_space<vmem>> -> memref<50xi32, #tpu.memory_space<vmem>>
      %dma_wait3A_472 = arith.constant 0 : i32
      %dma_wait3A_473 = arith.constant 0 : i32
      %dma_wait3A_474 = tpu.memref_slice %arg3[%dma_wait3A_472, %dma_wait3A_473] : memref<1000000x64xf32, #tpu.memory_space<hbm>> -> memref<1000000x64xf32, #tpu.memory_space<hbm>>
      tpu.wait_indirect_dma semaphore(%arg7 : memref<!tpu.dma_semaphore, #tpu.memory_space<semaphore_mem>>) src(%dma_wait3A_474 : memref<1000000x64xf32, #tpu.memory_space<hbm>>) dst(%dma_wait3A_468 : memref<50x64xf32, #tpu.memory_space<vmem>>)
      %add3A_475 = arith.addi %mul3A_2, %scan3A_458 : i32
      %dma_start3A_476 = arith.constant 0 : i32
      %dma_start3A_477 = arith.constant 0 : i32
      %dma_start3A_478 = tpu.memref_slice %arg6[%rem3A_459, %dma_start3A_476, %dma_start3A_477] : memref<16x50x64xf32, #tpu.memory_space<vmem>> -> memref<1x50x64xf32, #tpu.memory_space<vmem>>
      %dma_start3A_479 = tpu.memref_squeeze %dma_start3A_478 : memref<1x50x64xf32, #tpu.memory_space<vmem>> -> memref<50x64xf32, #tpu.memory_space<vmem>>
      %dma_start3A_480 = arith.constant 0 : i32
      %dma_start3A_481 = arith.constant 0 : i32
      %dma_start3A_482 = tpu.memref_slice %arg4[%add3A_475, %dma_start3A_480, %dma_start3A_481] : memref<16384x50x64xf32, #tpu.memory_space<hbm>> -> memref<1x50x64xf32, #tpu.memory_space<hbm>>
      %dma_start3A_483 = tpu.memref_squeeze %dma_start3A_482 : memref<1x50x64xf32, #tpu.memory_space<hbm>> -> memref<50x64xf32, #tpu.memory_space<hbm>>
      %dma_start3A_484 = arith.constant 0 : i32
      %dma_start3A_485 = arith.constant 0 : i32
      %dma_start3A_486 = tpu.memref_slice %arg4[%add3A_475, %dma_start3A_484, %dma_start3A_485] : memref<16384x50x64xf32, #tpu.memory_space<hbm>> -> memref<1x50x64xf32, #tpu.memory_space<hbm>>
      %dma_start3A_487 = tpu.memref_squeeze %dma_start3A_486 : memref<1x50x64xf32, #tpu.memory_space<hbm>> -> memref<50x64xf32, #tpu.memory_space<hbm>>
      %dma_start3A_488 = arith.constant 0 : i32
      %dma_start3A_489 = arith.constant 0 : i32
      %dma_start3A_490 = tpu.memref_slice %arg6[%rem3A_459, %dma_start3A_488, %dma_start3A_489] : memref<16x50x64xf32, #tpu.memory_space<vmem>> -> memref<1x50x64xf32, #tpu.memory_space<vmem>>
      %dma_start3A_491 = tpu.memref_squeeze %dma_start3A_490 : memref<1x50x64xf32, #tpu.memory_space<vmem>> -> memref<50x64xf32, #tpu.memory_space<vmem>>
      tpu.enqueue_dma source(%dma_start3A_491 : memref<50x64xf32, #tpu.memory_space<vmem>>) target(%dma_start3A_487 : memref<50x64xf32, #tpu.memory_space<hbm>>) target_semaphore(%arg8 : memref<!tpu.dma_semaphore, #tpu.memory_space<semaphore_mem>>)
    }
    %scan3A_186 = arith.constant 512 : i32
    %dma_wait3A = arith.constant 0 : i32
    %dma_wait3A_187 = arith.constant 0 : i32
    %dma_wait3A_188 = arith.constant 0 : i32
    %dma_wait3A_189 = tpu.memref_slice %arg6[%dma_wait3A, %dma_wait3A_187, %dma_wait3A_188] : memref<16x50x64xf32, #tpu.memory_space<vmem>> -> memref<1x50x64xf32, #tpu.memory_space<vmem>>
    %dma_wait3A_190 = tpu.memref_squeeze %dma_wait3A_189 : memref<1x50x64xf32, #tpu.memory_space<vmem>> -> memref<50x64xf32, #tpu.memory_space<vmem>>
    %dma_wait3A_191 = arith.constant 0 : i32
    %dma_wait3A_192 = arith.constant 0 : i32
    %dma_wait3A_193 = tpu.memref_slice %arg4[%mul3A_2, %dma_wait3A_191, %dma_wait3A_192] : memref<16384x50x64xf32, #tpu.memory_space<hbm>> -> memref<1x50x64xf32, #tpu.memory_space<hbm>>
    %dma_wait3A_194 = tpu.memref_squeeze %dma_wait3A_193 : memref<1x50x64xf32, #tpu.memory_space<hbm>> -> memref<50x64xf32, #tpu.memory_space<hbm>>
    %dma_wait3A_195 = arith.constant 0 : i32
    %dma_wait3A_196 = arith.constant 0 : i32
    %dma_wait3A_197 = tpu.memref_slice %arg4[%mul3A_2, %dma_wait3A_195, %dma_wait3A_196] : memref<16384x50x64xf32, #tpu.memory_space<hbm>> -> memref<1x50x64xf32, #tpu.memory_space<hbm>>
    %dma_wait3A_198 = tpu.memref_squeeze %dma_wait3A_197 : memref<1x50x64xf32, #tpu.memory_space<hbm>> -> memref<50x64xf32, #tpu.memory_space<hbm>>
    %dma_wait3A_199 = arith.constant 0 : i32
    %dma_wait3A_200 = arith.constant 0 : i32
    %dma_wait3A_201 = tpu.memref_slice %arg6[%dma_wait3A, %dma_wait3A_199, %dma_wait3A_200] : memref<16x50x64xf32, #tpu.memory_space<vmem>> -> memref<1x50x64xf32, #tpu.memory_space<vmem>>
    %dma_wait3A_202 = tpu.memref_squeeze %dma_wait3A_201 : memref<1x50x64xf32, #tpu.memory_space<vmem>> -> memref<50x64xf32, #tpu.memory_space<vmem>>
    tpu.wait_dma2 semaphore(%arg8 : memref<!tpu.dma_semaphore, #tpu.memory_space<semaphore_mem>>) src(%dma_wait3A_202 : memref<50x64xf32, #tpu.memory_space<vmem>>) dst(%dma_wait3A_198 : memref<50x64xf32, #tpu.memory_space<hbm>>)
    %dma_wait3A_203 = arith.constant 0 : i32
    %dma_wait3A_204 = arith.constant 0 : i32
    %dma_wait3A_205 = arith.constant 0 : i32
    %dma_wait3A_206 = tpu.memref_slice %arg6[%dma_wait3A_203, %dma_wait3A_204, %dma_wait3A_205] : memref<16x50x64xf32, #tpu.memory_space<vmem>> -> memref<1x50x64xf32, #tpu.memory_space<vmem>>
    %dma_wait3A_207 = tpu.memref_squeeze %dma_wait3A_206 : memref<1x50x64xf32, #tpu.memory_space<vmem>> -> memref<50x64xf32, #tpu.memory_space<vmem>>
    %dma_wait3A_208 = arith.constant 0 : i32
    %dma_wait3A_209 = arith.constant 0 : i32
    %dma_wait3A_210 = tpu.memref_slice %arg4[%mul3A_2, %dma_wait3A_208, %dma_wait3A_209] : memref<16384x50x64xf32, #tpu.memory_space<hbm>> -> memref<1x50x64xf32, #tpu.memory_space<hbm>>
    %dma_wait3A_211 = tpu.memref_squeeze %dma_wait3A_210 : memref<1x50x64xf32, #tpu.memory_space<hbm>> -> memref<50x64xf32, #tpu.memory_space<hbm>>
    %dma_wait3A_212 = arith.constant 0 : i32
    %dma_wait3A_213 = arith.constant 0 : i32
    %dma_wait3A_214 = tpu.memref_slice %arg4[%mul3A_2, %dma_wait3A_212, %dma_wait3A_213] : memref<16384x50x64xf32, #tpu.memory_space<hbm>> -> memref<1x50x64xf32, #tpu.memory_space<hbm>>
    %dma_wait3A_215 = tpu.memref_squeeze %dma_wait3A_214 : memref<1x50x64xf32, #tpu.memory_space<hbm>> -> memref<50x64xf32, #tpu.memory_space<hbm>>
    %dma_wait3A_216 = arith.constant 0 : i32
    %dma_wait3A_217 = arith.constant 0 : i32
    %dma_wait3A_218 = tpu.memref_slice %arg6[%dma_wait3A_203, %dma_wait3A_216, %dma_wait3A_217] : memref<16x50x64xf32, #tpu.memory_space<vmem>> -> memref<1x50x64xf32, #tpu.memory_space<vmem>>
    %dma_wait3A_219 = tpu.memref_squeeze %dma_wait3A_218 : memref<1x50x64xf32, #tpu.memory_space<vmem>> -> memref<50x64xf32, #tpu.memory_space<vmem>>
    tpu.wait_dma2 semaphore(%arg8 : memref<!tpu.dma_semaphore, #tpu.memory_space<semaphore_mem>>) src(%dma_wait3A_219 : memref<50x64xf32, #tpu.memory_space<vmem>>) dst(%dma_wait3A_215 : memref<50x64xf32, #tpu.memory_space<hbm>>)
    %dma_wait3A_220 = arith.constant 0 : i32
    %dma_wait3A_221 = arith.constant 0 : i32
    %dma_wait3A_222 = arith.constant 0 : i32
    %dma_wait3A_223 = tpu.memref_slice %arg6[%dma_wait3A_220, %dma_wait3A_221, %dma_wait3A_222] : memref<16x50x64xf32, #tpu.memory_space<vmem>> -> memref<1x50x64xf32, #tpu.memory_space<vmem>>
    %dma_wait3A_224 = tpu.memref_squeeze %dma_wait3A_223 : memref<1x50x64xf32, #tpu.memory_space<vmem>> -> memref<50x64xf32, #tpu.memory_space<vmem>>
    %dma_wait3A_225 = arith.constant 0 : i32
    %dma_wait3A_226 = arith.constant 0 : i32
    %dma_wait3A_227 = tpu.memref_slice %arg4[%mul3A_2, %dma_wait3A_225, %dma_wait3A_226] : memref<16384x50x64xf32, #tpu.memory_space<hbm>> -> memref<1x50x64xf32, #tpu.memory_space<hbm>>
    %dma_wait3A_228 = tpu.memref_squeeze %dma_wait3A_227 : memref<1x50x64xf32, #tpu.memory_space<hbm>> -> memref<50x64xf32, #tpu.memory_space<hbm>>
    %dma_wait3A_229 = arith.constant 0 : i32
    %dma_wait3A_230 = arith.constant 0 : i32
    %dma_wait3A_231 = tpu.memref_slice %arg4[%mul3A_2, %dma_wait3A_229, %dma_wait3A_230] : memref<16384x50x64xf32, #tpu.memory_space<hbm>> -> memref<1x50x64xf32, #tpu.memory_space<hbm>>
    %dma_wait3A_232 = tpu.memref_squeeze %dma_wait3A_231 : memref<1x50x64xf32, #tpu.memory_space<hbm>> -> memref<50x64xf32, #tpu.memory_space<hbm>>
    %dma_wait3A_233 = arith.constant 0 : i32
    %dma_wait3A_234 = arith.constant 0 : i32
    %dma_wait3A_235 = tpu.memref_slice %arg6[%dma_wait3A_220, %dma_wait3A_233, %dma_wait3A_234] : memref<16x50x64xf32, #tpu.memory_space<vmem>> -> memref<1x50x64xf32, #tpu.memory_space<vmem>>
    %dma_wait3A_236 = tpu.memref_squeeze %dma_wait3A_235 : memref<1x50x64xf32, #tpu.memory_space<vmem>> -> memref<50x64xf32, #tpu.memory_space<vmem>>
    tpu.wait_dma2 semaphore(%arg8 : memref<!tpu.dma_semaphore, #tpu.memory_space<semaphore_mem>>) src(%dma_wait3A_236 : memref<50x64xf32, #tpu.memory_space<vmem>>) dst(%dma_wait3A_232 : memref<50x64xf32, #tpu.memory_space<hbm>>)
    %dma_wait3A_237 = arith.constant 0 : i32
    %dma_wait3A_238 = arith.constant 0 : i32
    %dma_wait3A_239 = arith.constant 0 : i32
    %dma_wait3A_240 = tpu.memref_slice %arg6[%dma_wait3A_237, %dma_wait3A_238, %dma_wait3A_239] : memref<16x50x64xf32, #tpu.memory_space<vmem>> -> memref<1x50x64xf32, #tpu.memory_space<vmem>>
    %dma_wait3A_241 = tpu.memref_squeeze %dma_wait3A_240 : memref<1x50x64xf32, #tpu.memory_space<vmem>> -> memref<50x64xf32, #tpu.memory_space<vmem>>
    %dma_wait3A_242 = arith.constant 0 : i32
    %dma_wait3A_243 = arith.constant 0 : i32
    %dma_wait3A_244 = tpu.memref_slice %arg4[%mul3A_2, %dma_wait3A_242, %dma_wait3A_243] : memref<16384x50x64xf32, #tpu.memory_space<hbm>> -> memref<1x50x64xf32, #tpu.memory_space<hbm>>
    %dma_wait3A_245 = tpu.memref_squeeze %dma_wait3A_244 : memref<1x50x64xf32, #tpu.memory_space<hbm>> -> memref<50x64xf32, #tpu.memory_space<hbm>>
    %dma_wait3A_246 = arith.constant 0 : i32
    %dma_wait3A_247 = arith.constant 0 : i32
    %dma_wait3A_248 = tpu.memref_slice %arg4[%mul3A_2, %dma_wait3A_246, %dma_wait3A_247] : memref<16384x50x64xf32, #tpu.memory_space<hbm>> -> memref<1x50x64xf32, #tpu.memory_space<hbm>>
    %dma_wait3A_249 = tpu.memref_squeeze %dma_wait3A_248 : memref<1x50x64xf32, #tpu.memory_space<hbm>> -> memref<50x64xf32, #tpu.memory_space<hbm>>
    %dma_wait3A_250 = arith.constant 0 : i32
    %dma_wait3A_251 = arith.constant 0 : i32
    %dma_wait3A_252 = tpu.memref_slice %arg6[%dma_wait3A_237, %dma_wait3A_250, %dma_wait3A_251] : memref<16x50x64xf32, #tpu.memory_space<vmem>> -> memref<1x50x64xf32, #tpu.memory_space<vmem>>
    %dma_wait3A_253 = tpu.memref_squeeze %dma_wait3A_252 : memref<1x50x64xf32, #tpu.memory_space<vmem>> -> memref<50x64xf32, #tpu.memory_space<vmem>>
    tpu.wait_dma2 semaphore(%arg8 : memref<!tpu.dma_semaphore, #tpu.memory_space<semaphore_mem>>) src(%dma_wait3A_253 : memref<50x64xf32, #tpu.memory_space<vmem>>) dst(%dma_wait3A_249 : memref<50x64xf32, #tpu.memory_space<hbm>>)
    %dma_wait3A_254 = arith.constant 0 : i32
    %dma_wait3A_255 = arith.constant 0 : i32
    %dma_wait3A_256 = arith.constant 0 : i32
    %dma_wait3A_257 = tpu.memref_slice %arg6[%dma_wait3A_254, %dma_wait3A_255, %dma_wait3A_256] : memref<16x50x64xf32, #tpu.memory_space<vmem>> -> memref<1x50x64xf32, #tpu.memory_space<vmem>>
    %dma_wait3A_258 = tpu.memref_squeeze %dma_wait3A_257 : memref<1x50x64xf32, #tpu.memory_space<vmem>> -> memref<50x64xf32, #tpu.memory_space<vmem>>
    %dma_wait3A_259 = arith.constant 0 : i32
    %dma_wait3A_260 = arith.constant 0 : i32
    %dma_wait3A_261 = tpu.memref_slice %arg4[%mul3A_2, %dma_wait3A_259, %dma_wait3A_260] : memref<16384x50x64xf32, #tpu.memory_space<hbm>> -> memref<1x50x64xf32, #tpu.memory_space<hbm>>
    %dma_wait3A_262 = tpu.memref_squeeze %dma_wait3A_261 : memref<1x50x64xf32, #tpu.memory_space<hbm>> -> memref<50x64xf32, #tpu.memory_space<hbm>>
    %dma_wait3A_263 = arith.constant 0 : i32
    %dma_wait3A_264 = arith.constant 0 : i32
    %dma_wait3A_265 = tpu.memref_slice %arg4[%mul3A_2, %dma_wait3A_263, %dma_wait3A_264] : memref<16384x50x64xf32, #tpu.memory_space<hbm>> -> memref<1x50x64xf32, #tpu.memory_space<hbm>>
    %dma_wait3A_266 = tpu.memref_squeeze %dma_wait3A_265 : memref<1x50x64xf32, #tpu.memory_space<hbm>> -> memref<50x64xf32, #tpu.memory_space<hbm>>
    %dma_wait3A_267 = arith.constant 0 : i32
    %dma_wait3A_268 = arith.constant 0 : i32
    %dma_wait3A_269 = tpu.memref_slice %arg6[%dma_wait3A_254, %dma_wait3A_267, %dma_wait3A_268] : memref<16x50x64xf32, #tpu.memory_space<vmem>> -> memref<1x50x64xf32, #tpu.memory_space<vmem>>
    %dma_wait3A_270 = tpu.memref_squeeze %dma_wait3A_269 : memref<1x50x64xf32, #tpu.memory_space<vmem>> -> memref<50x64xf32, #tpu.memory_space<vmem>>
    tpu.wait_dma2 semaphore(%arg8 : memref<!tpu.dma_semaphore, #tpu.memory_space<semaphore_mem>>) src(%dma_wait3A_270 : memref<50x64xf32, #tpu.memory_space<vmem>>) dst(%dma_wait3A_266 : memref<50x64xf32, #tpu.memory_space<hbm>>)
    %dma_wait3A_271 = arith.constant 0 : i32
    %dma_wait3A_272 = arith.constant 0 : i32
    %dma_wait3A_273 = arith.constant 0 : i32
    %dma_wait3A_274 = tpu.memref_slice %arg6[%dma_wait3A_271, %dma_wait3A_272, %dma_wait3A_273] : memref<16x50x64xf32, #tpu.memory_space<vmem>> -> memref<1x50x64xf32, #tpu.memory_space<vmem>>
    %dma_wait3A_275 = tpu.memref_squeeze %dma_wait3A_274 : memref<1x50x64xf32, #tpu.memory_space<vmem>> -> memref<50x64xf32, #tpu.memory_space<vmem>>
    %dma_wait3A_276 = arith.constant 0 : i32
    %dma_wait3A_277 = arith.constant 0 : i32
    %dma_wait3A_278 = tpu.memref_slice %arg4[%mul3A_2, %dma_wait3A_276, %dma_wait3A_277] : memref<16384x50x64xf32, #tpu.memory_space<hbm>> -> memref<1x50x64xf32, #tpu.memory_space<hbm>>
    %dma_wait3A_279 = tpu.memref_squeeze %dma_wait3A_278 : memref<1x50x64xf32, #tpu.memory_space<hbm>> -> memref<50x64xf32, #tpu.memory_space<hbm>>
    %dma_wait3A_280 = arith.constant 0 : i32
    %dma_wait3A_281 = arith.constant 0 : i32
    %dma_wait3A_282 = tpu.memref_slice %arg4[%mul3A_2, %dma_wait3A_280, %dma_wait3A_281] : memref<16384x50x64xf32, #tpu.memory_space<hbm>> -> memref<1x50x64xf32, #tpu.memory_space<hbm>>
    %dma_wait3A_283 = tpu.memref_squeeze %dma_wait3A_282 : memref<1x50x64xf32, #tpu.memory_space<hbm>> -> memref<50x64xf32, #tpu.memory_space<hbm>>
    %dma_wait3A_284 = arith.constant 0 : i32
    %dma_wait3A_285 = arith.constant 0 : i32
    %dma_wait3A_286 = tpu.memref_slice %arg6[%dma_wait3A_271, %dma_wait3A_284, %dma_wait3A_285] : memref<16x50x64xf32, #tpu.memory_space<vmem>> -> memref<1x50x64xf32, #tpu.memory_space<vmem>>
    %dma_wait3A_287 = tpu.memref_squeeze %dma_wait3A_286 : memref<1x50x64xf32, #tpu.memory_space<vmem>> -> memref<50x64xf32, #tpu.memory_space<vmem>>
    tpu.wait_dma2 semaphore(%arg8 : memref<!tpu.dma_semaphore, #tpu.memory_space<semaphore_mem>>) src(%dma_wait3A_287 : memref<50x64xf32, #tpu.memory_space<vmem>>) dst(%dma_wait3A_283 : memref<50x64xf32, #tpu.memory_space<hbm>>)
    %dma_wait3A_288 = arith.constant 0 : i32
    %dma_wait3A_289 = arith.constant 0 : i32
    %dma_wait3A_290 = arith.constant 0 : i32
    %dma_wait3A_291 = tpu.memref_slice %arg6[%dma_wait3A_288, %dma_wait3A_289, %dma_wait3A_290] : memref<16x50x64xf32, #tpu.memory_space<vmem>> -> memref<1x50x64xf32, #tpu.memory_space<vmem>>
    %dma_wait3A_292 = tpu.memref_squeeze %dma_wait3A_291 : memref<1x50x64xf32, #tpu.memory_space<vmem>> -> memref<50x64xf32, #tpu.memory_space<vmem>>
    %dma_wait3A_293 = arith.constant 0 : i32
    %dma_wait3A_294 = arith.constant 0 : i32
    %dma_wait3A_295 = tpu.memref_slice %arg4[%mul3A_2, %dma_wait3A_293, %dma_wait3A_294] : memref<16384x50x64xf32, #tpu.memory_space<hbm>> -> memref<1x50x64xf32, #tpu.memory_space<hbm>>
    %dma_wait3A_296 = tpu.memref_squeeze %dma_wait3A_295 : memref<1x50x64xf32, #tpu.memory_space<hbm>> -> memref<50x64xf32, #tpu.memory_space<hbm>>
    %dma_wait3A_297 = arith.constant 0 : i32
    %dma_wait3A_298 = arith.constant 0 : i32
    %dma_wait3A_299 = tpu.memref_slice %arg4[%mul3A_2, %dma_wait3A_297, %dma_wait3A_298] : memref<16384x50x64xf32, #tpu.memory_space<hbm>> -> memref<1x50x64xf32, #tpu.memory_space<hbm>>
    %dma_wait3A_300 = tpu.memref_squeeze %dma_wait3A_299 : memref<1x50x64xf32, #tpu.memory_space<hbm>> -> memref<50x64xf32, #tpu.memory_space<hbm>>
    %dma_wait3A_301 = arith.constant 0 : i32
    %dma_wait3A_302 = arith.constant 0 : i32
    %dma_wait3A_303 = tpu.memref_slice %arg6[%dma_wait3A_288, %dma_wait3A_301, %dma_wait3A_302] : memref<16x50x64xf32, #tpu.memory_space<vmem>> -> memref<1x50x64xf32, #tpu.memory_space<vmem>>
    %dma_wait3A_304 = tpu.memref_squeeze %dma_wait3A_303 : memref<1x50x64xf32, #tpu.memory_space<vmem>> -> memref<50x64xf32, #tpu.memory_space<vmem>>
    tpu.wait_dma2 semaphore(%arg8 : memref<!tpu.dma_semaphore, #tpu.memory_space<semaphore_mem>>) src(%dma_wait3A_304 : memref<50x64xf32, #tpu.memory_space<vmem>>) dst(%dma_wait3A_300 : memref<50x64xf32, #tpu.memory_space<hbm>>)
    %dma_wait3A_305 = arith.constant 0 : i32
    %dma_wait3A_306 = arith.constant 0 : i32
    %dma_wait3A_307 = arith.constant 0 : i32
    %dma_wait3A_308 = tpu.memref_slice %arg6[%dma_wait3A_305, %dma_wait3A_306, %dma_wait3A_307] : memref<16x50x64xf32, #tpu.memory_space<vmem>> -> memref<1x50x64xf32, #tpu.memory_space<vmem>>
    %dma_wait3A_309 = tpu.memref_squeeze %dma_wait3A_308 : memref<1x50x64xf32, #tpu.memory_space<vmem>> -> memref<50x64xf32, #tpu.memory_space<vmem>>
    %dma_wait3A_310 = arith.constant 0 : i32
    %dma_wait3A_311 = arith.constant 0 : i32
    %dma_wait3A_312 = tpu.memref_slice %arg4[%mul3A_2, %dma_wait3A_310, %dma_wait3A_311] : memref<16384x50x64xf32, #tpu.memory_space<hbm>> -> memref<1x50x64xf32, #tpu.memory_space<hbm>>
    %dma_wait3A_313 = tpu.memref_squeeze %dma_wait3A_312 : memref<1x50x64xf32, #tpu.memory_space<hbm>> -> memref<50x64xf32, #tpu.memory_space<hbm>>
    %dma_wait3A_314 = arith.constant 0 : i32
    %dma_wait3A_315 = arith.constant 0 : i32
    %dma_wait3A_316 = tpu.memref_slice %arg4[%mul3A_2, %dma_wait3A_314, %dma_wait3A_315] : memref<16384x50x64xf32, #tpu.memory_space<hbm>> -> memref<1x50x64xf32, #tpu.memory_space<hbm>>
    %dma_wait3A_317 = tpu.memref_squeeze %dma_wait3A_316 : memref<1x50x64xf32, #tpu.memory_space<hbm>> -> memref<50x64xf32, #tpu.memory_space<hbm>>
    %dma_wait3A_318 = arith.constant 0 : i32
    %dma_wait3A_319 = arith.constant 0 : i32
    %dma_wait3A_320 = tpu.memref_slice %arg6[%dma_wait3A_305, %dma_wait3A_318, %dma_wait3A_319] : memref<16x50x64xf32, #tpu.memory_space<vmem>> -> memref<1x50x64xf32, #tpu.memory_space<vmem>>
    %dma_wait3A_321 = tpu.memref_squeeze %dma_wait3A_320 : memref<1x50x64xf32, #tpu.memory_space<vmem>> -> memref<50x64xf32, #tpu.memory_space<vmem>>
    tpu.wait_dma2 semaphore(%arg8 : memref<!tpu.dma_semaphore, #tpu.memory_space<semaphore_mem>>) src(%dma_wait3A_321 : memref<50x64xf32, #tpu.memory_space<vmem>>) dst(%dma_wait3A_317 : memref<50x64xf32, #tpu.memory_space<hbm>>)
    %dma_wait3A_322 = arith.constant 0 : i32
    %dma_wait3A_323 = arith.constant 0 : i32
    %dma_wait3A_324 = arith.constant 0 : i32
    %dma_wait3A_325 = tpu.memref_slice %arg6[%dma_wait3A_322, %dma_wait3A_323, %dma_wait3A_324] : memref<16x50x64xf32, #tpu.memory_space<vmem>> -> memref<1x50x64xf32, #tpu.memory_space<vmem>>
    %dma_wait3A_326 = tpu.memref_squeeze %dma_wait3A_325 : memref<1x50x64xf32, #tpu.memory_space<vmem>> -> memref<50x64xf32, #tpu.memory_space<vmem>>
    %dma_wait3A_327 = arith.constant 0 : i32
    %dma_wait3A_328 = arith.constant 0 : i32
    %dma_wait3A_329 = tpu.memref_slice %arg4[%mul3A_2, %dma_wait3A_327, %dma_wait3A_328] : memref<16384x50x64xf32, #tpu.memory_space<hbm>> -> memref<1x50x64xf32, #tpu.memory_space<hbm>>
    %dma_wait3A_330 = tpu.memref_squeeze %dma_wait3A_329 : memref<1x50x64xf32, #tpu.memory_space<hbm>> -> memref<50x64xf32, #tpu.memory_space<hbm>>
    %dma_wait3A_331 = arith.constant 0 : i32
    %dma_wait3A_332 = arith.constant 0 : i32
    %dma_wait3A_333 = tpu.memref_slice %arg4[%mul3A_2, %dma_wait3A_331, %dma_wait3A_332] : memref<16384x50x64xf32, #tpu.memory_space<hbm>> -> memref<1x50x64xf32, #tpu.memory_space<hbm>>
    %dma_wait3A_334 = tpu.memref_squeeze %dma_wait3A_333 : memref<1x50x64xf32, #tpu.memory_space<hbm>> -> memref<50x64xf32, #tpu.memory_space<hbm>>
    %dma_wait3A_335 = arith.constant 0 : i32
    %dma_wait3A_336 = arith.constant 0 : i32
    %dma_wait3A_337 = tpu.memref_slice %arg6[%dma_wait3A_322, %dma_wait3A_335, %dma_wait3A_336] : memref<16x50x64xf32, #tpu.memory_space<vmem>> -> memref<1x50x64xf32, #tpu.memory_space<vmem>>
    %dma_wait3A_338 = tpu.memref_squeeze %dma_wait3A_337 : memref<1x50x64xf32, #tpu.memory_space<vmem>> -> memref<50x64xf32, #tpu.memory_space<vmem>>
    tpu.wait_dma2 semaphore(%arg8 : memref<!tpu.dma_semaphore, #tpu.memory_space<semaphore_mem>>) src(%dma_wait3A_338 : memref<50x64xf32, #tpu.memory_space<vmem>>) dst(%dma_wait3A_334 : memref<50x64xf32, #tpu.memory_space<hbm>>)
    %dma_wait3A_339 = arith.constant 0 : i32
    %dma_wait3A_340 = arith.constant 0 : i32
    %dma_wait3A_341 = arith.constant 0 : i32
    %dma_wait3A_342 = tpu.memref_slice %arg6[%dma_wait3A_339, %dma_wait3A_340, %dma_wait3A_341] : memref<16x50x64xf32, #tpu.memory_space<vmem>> -> memref<1x50x64xf32, #tpu.memory_space<vmem>>
    %dma_wait3A_343 = tpu.memref_squeeze %dma_wait3A_342 : memref<1x50x64xf32, #tpu.memory_space<vmem>> -> memref<50x64xf32, #tpu.memory_space<vmem>>
    %dma_wait3A_344 = arith.constant 0 : i32
    %dma_wait3A_345 = arith.constant 0 : i32
    %dma_wait3A_346 = tpu.memref_slice %arg4[%mul3A_2, %dma_wait3A_344, %dma_wait3A_345] : memref<16384x50x64xf32, #tpu.memory_space<hbm>> -> memref<1x50x64xf32, #tpu.memory_space<hbm>>
    %dma_wait3A_347 = tpu.memref_squeeze %dma_wait3A_346 : memref<1x50x64xf32, #tpu.memory_space<hbm>> -> memref<50x64xf32, #tpu.memory_space<hbm>>
    %dma_wait3A_348 = arith.constant 0 : i32
    %dma_wait3A_349 = arith.constant 0 : i32
    %dma_wait3A_350 = tpu.memref_slice %arg4[%mul3A_2, %dma_wait3A_348, %dma_wait3A_349] : memref<16384x50x64xf32, #tpu.memory_space<hbm>> -> memref<1x50x64xf32, #tpu.memory_space<hbm>>
    %dma_wait3A_351 = tpu.memref_squeeze %dma_wait3A_350 : memref<1x50x64xf32, #tpu.memory_space<hbm>> -> memref<50x64xf32, #tpu.memory_space<hbm>>
    %dma_wait3A_352 = arith.constant 0 : i32
    %dma_wait3A_353 = arith.constant 0 : i32
    %dma_wait3A_354 = tpu.memref_slice %arg6[%dma_wait3A_339, %dma_wait3A_352, %dma_wait3A_353] : memref<16x50x64xf32, #tpu.memory_space<vmem>> -> memref<1x50x64xf32, #tpu.memory_space<vmem>>
    %dma_wait3A_355 = tpu.memref_squeeze %dma_wait3A_354 : memref<1x50x64xf32, #tpu.memory_space<vmem>> -> memref<50x64xf32, #tpu.memory_space<vmem>>
    tpu.wait_dma2 semaphore(%arg8 : memref<!tpu.dma_semaphore, #tpu.memory_space<semaphore_mem>>) src(%dma_wait3A_355 : memref<50x64xf32, #tpu.memory_space<vmem>>) dst(%dma_wait3A_351 : memref<50x64xf32, #tpu.memory_space<hbm>>)
    %dma_wait3A_356 = arith.constant 0 : i32
    %dma_wait3A_357 = arith.constant 0 : i32
    %dma_wait3A_358 = arith.constant 0 : i32
    %dma_wait3A_359 = tpu.memref_slice %arg6[%dma_wait3A_356, %dma_wait3A_357, %dma_wait3A_358] : memref<16x50x64xf32, #tpu.memory_space<vmem>> -> memref<1x50x64xf32, #tpu.memory_space<vmem>>
    %dma_wait3A_360 = tpu.memref_squeeze %dma_wait3A_359 : memref<1x50x64xf32, #tpu.memory_space<vmem>> -> memref<50x64xf32, #tpu.memory_space<vmem>>
    %dma_wait3A_361 = arith.constant 0 : i32
    %dma_wait3A_362 = arith.constant 0 : i32
    %dma_wait3A_363 = tpu.memref_slice %arg4[%mul3A_2, %dma_wait3A_361, %dma_wait3A_362] : memref<16384x50x64xf32, #tpu.memory_space<hbm>> -> memref<1x50x64xf32, #tpu.memory_space<hbm>>
    %dma_wait3A_364 = tpu.memref_squeeze %dma_wait3A_363 : memref<1x50x64xf32, #tpu.memory_space<hbm>> -> memref<50x64xf32, #tpu.memory_space<hbm>>
    %dma_wait3A_365 = arith.constant 0 : i32
    %dma_wait3A_366 = arith.constant 0 : i32
    %dma_wait3A_367 = tpu.memref_slice %arg4[%mul3A_2, %dma_wait3A_365, %dma_wait3A_366] : memref<16384x50x64xf32, #tpu.memory_space<hbm>> -> memref<1x50x64xf32, #tpu.memory_space<hbm>>
    %dma_wait3A_368 = tpu.memref_squeeze %dma_wait3A_367 : memref<1x50x64xf32, #tpu.memory_space<hbm>> -> memref<50x64xf32, #tpu.memory_space<hbm>>
    %dma_wait3A_369 = arith.constant 0 : i32
    %dma_wait3A_370 = arith.constant 0 : i32
    %dma_wait3A_371 = tpu.memref_slice %arg6[%dma_wait3A_356, %dma_wait3A_369, %dma_wait3A_370] : memref<16x50x64xf32, #tpu.memory_space<vmem>> -> memref<1x50x64xf32, #tpu.memory_space<vmem>>
    %dma_wait3A_372 = tpu.memref_squeeze %dma_wait3A_371 : memref<1x50x64xf32, #tpu.memory_space<vmem>> -> memref<50x64xf32, #tpu.memory_space<vmem>>
    tpu.wait_dma2 semaphore(%arg8 : memref<!tpu.dma_semaphore, #tpu.memory_space<semaphore_mem>>) src(%dma_wait3A_372 : memref<50x64xf32, #tpu.memory_space<vmem>>) dst(%dma_wait3A_368 : memref<50x64xf32, #tpu.memory_space<hbm>>)
    %dma_wait3A_373 = arith.constant 0 : i32
    %dma_wait3A_374 = arith.constant 0 : i32
    %dma_wait3A_375 = arith.constant 0 : i32
    %dma_wait3A_376 = tpu.memref_slice %arg6[%dma_wait3A_373, %dma_wait3A_374, %dma_wait3A_375] : memref<16x50x64xf32, #tpu.memory_space<vmem>> -> memref<1x50x64xf32, #tpu.memory_space<vmem>>
    %dma_wait3A_377 = tpu.memref_squeeze %dma_wait3A_376 : memref<1x50x64xf32, #tpu.memory_space<vmem>> -> memref<50x64xf32, #tpu.memory_space<vmem>>
    %dma_wait3A_378 = arith.constant 0 : i32
    %dma_wait3A_379 = arith.constant 0 : i32
    %dma_wait3A_380 = tpu.memref_slice %arg4[%mul3A_2, %dma_wait3A_378, %dma_wait3A_379] : memref<16384x50x64xf32, #tpu.memory_space<hbm>> -> memref<1x50x64xf32, #tpu.memory_space<hbm>>
    %dma_wait3A_381 = tpu.memref_squeeze %dma_wait3A_380 : memref<1x50x64xf32, #tpu.memory_space<hbm>> -> memref<50x64xf32, #tpu.memory_space<hbm>>
    %dma_wait3A_382 = arith.constant 0 : i32
    %dma_wait3A_383 = arith.constant 0 : i32
    %dma_wait3A_384 = tpu.memref_slice %arg4[%mul3A_2, %dma_wait3A_382, %dma_wait3A_383] : memref<16384x50x64xf32, #tpu.memory_space<hbm>> -> memref<1x50x64xf32, #tpu.memory_space<hbm>>
    %dma_wait3A_385 = tpu.memref_squeeze %dma_wait3A_384 : memref<1x50x64xf32, #tpu.memory_space<hbm>> -> memref<50x64xf32, #tpu.memory_space<hbm>>
    %dma_wait3A_386 = arith.constant 0 : i32
    %dma_wait3A_387 = arith.constant 0 : i32
    %dma_wait3A_388 = tpu.memref_slice %arg6[%dma_wait3A_373, %dma_wait3A_386, %dma_wait3A_387] : memref<16x50x64xf32, #tpu.memory_space<vmem>> -> memref<1x50x64xf32, #tpu.memory_space<vmem>>
    %dma_wait3A_389 = tpu.memref_squeeze %dma_wait3A_388 : memref<1x50x64xf32, #tpu.memory_space<vmem>> -> memref<50x64xf32, #tpu.memory_space<vmem>>
    tpu.wait_dma2 semaphore(%arg8 : memref<!tpu.dma_semaphore, #tpu.memory_space<semaphore_mem>>) src(%dma_wait3A_389 : memref<50x64xf32, #tpu.memory_space<vmem>>) dst(%dma_wait3A_385 : memref<50x64xf32, #tpu.memory_space<hbm>>)
    %dma_wait3A_390 = arith.constant 0 : i32
    %dma_wait3A_391 = arith.constant 0 : i32
    %dma_wait3A_392 = arith.constant 0 : i32
    %dma_wait3A_393 = tpu.memref_slice %arg6[%dma_wait3A_390, %dma_wait3A_391, %dma_wait3A_392] : memref<16x50x64xf32, #tpu.memory_space<vmem>> -> memref<1x50x64xf32, #tpu.memory_space<vmem>>
    %dma_wait3A_394 = tpu.memref_squeeze %dma_wait3A_393 : memref<1x50x64xf32, #tpu.memory_space<vmem>> -> memref<50x64xf32, #tpu.memory_space<vmem>>
    %dma_wait3A_395 = arith.constant 0 : i32
    %dma_wait3A_396 = arith.constant 0 : i32
    %dma_wait3A_397 = tpu.memref_slice %arg4[%mul3A_2, %dma_wait3A_395, %dma_wait3A_396] : memref<16384x50x64xf32, #tpu.memory_space<hbm>> -> memref<1x50x64xf32, #tpu.memory_space<hbm>>
    %dma_wait3A_398 = tpu.memref_squeeze %dma_wait3A_397 : memref<1x50x64xf32, #tpu.memory_space<hbm>> -> memref<50x64xf32, #tpu.memory_space<hbm>>
    %dma_wait3A_399 = arith.constant 0 : i32
    %dma_wait3A_400 = arith.constant 0 : i32
    %dma_wait3A_401 = tpu.memref_slice %arg4[%mul3A_2, %dma_wait3A_399, %dma_wait3A_400] : memref<16384x50x64xf32, #tpu.memory_space<hbm>> -> memref<1x50x64xf32, #tpu.memory_space<hbm>>
    %dma_wait3A_402 = tpu.memref_squeeze %dma_wait3A_401 : memref<1x50x64xf32, #tpu.memory_space<hbm>> -> memref<50x64xf32, #tpu.memory_space<hbm>>
    %dma_wait3A_403 = arith.constant 0 : i32
    %dma_wait3A_404 = arith.constant 0 : i32
    %dma_wait3A_405 = tpu.memref_slice %arg6[%dma_wait3A_390, %dma_wait3A_403, %dma_wait3A_404] : memref<16x50x64xf32, #tpu.memory_space<vmem>> -> memref<1x50x64xf32, #tpu.memory_space<vmem>>
    %dma_wait3A_406 = tpu.memref_squeeze %dma_wait3A_405 : memref<1x50x64xf32, #tpu.memory_space<vmem>> -> memref<50x64xf32, #tpu.memory_space<vmem>>
    tpu.wait_dma2 semaphore(%arg8 : memref<!tpu.dma_semaphore, #tpu.memory_space<semaphore_mem>>) src(%dma_wait3A_406 : memref<50x64xf32, #tpu.memory_space<vmem>>) dst(%dma_wait3A_402 : memref<50x64xf32, #tpu.memory_space<hbm>>)
    %dma_wait3A_407 = arith.constant 0 : i32
    %dma_wait3A_408 = arith.constant 0 : i32
    %dma_wait3A_409 = arith.constant 0 : i32
    %dma_wait3A_410 = tpu.memref_slice %arg6[%dma_wait3A_407, %dma_wait3A_408, %dma_wait3A_409] : memref<16x50x64xf32, #tpu.memory_space<vmem>> -> memref<1x50x64xf32, #tpu.memory_space<vmem>>
    %dma_wait3A_411 = tpu.memref_squeeze %dma_wait3A_410 : memref<1x50x64xf32, #tpu.memory_space<vmem>> -> memref<50x64xf32, #tpu.memory_space<vmem>>
    %dma_wait3A_412 = arith.constant 0 : i32
    %dma_wait3A_413 = arith.constant 0 : i32
    %dma_wait3A_414 = tpu.memref_slice %arg4[%mul3A_2, %dma_wait3A_412, %dma_wait3A_413] : memref<16384x50x64xf32, #tpu.memory_space<hbm>> -> memref<1x50x64xf32, #tpu.memory_space<hbm>>
    %dma_wait3A_415 = tpu.memref_squeeze %dma_wait3A_414 : memref<1x50x64xf32, #tpu.memory_space<hbm>> -> memref<50x64xf32, #tpu.memory_space<hbm>>
    %dma_wait3A_416 = arith.constant 0 : i32
    %dma_wait3A_417 = arith.constant 0 : i32
    %dma_wait3A_418 = tpu.memref_slice %arg4[%mul3A_2, %dma_wait3A_416, %dma_wait3A_417] : memref<16384x50x64xf32, #tpu.memory_space<hbm>> -> memref<1x50x64xf32, #tpu.memory_space<hbm>>
    %dma_wait3A_419 = tpu.memref_squeeze %dma_wait3A_418 : memref<1x50x64xf32, #tpu.memory_space<hbm>> -> memref<50x64xf32, #tpu.memory_space<hbm>>
    %dma_wait3A_420 = arith.constant 0 : i32
    %dma_wait3A_421 = arith.constant 0 : i32
    %dma_wait3A_422 = tpu.memref_slice %arg6[%dma_wait3A_407, %dma_wait3A_420, %dma_wait3A_421] : memref<16x50x64xf32, #tpu.memory_space<vmem>> -> memref<1x50x64xf32, #tpu.memory_space<vmem>>
    %dma_wait3A_423 = tpu.memref_squeeze %dma_wait3A_422 : memref<1x50x64xf32, #tpu.memory_space<vmem>> -> memref<50x64xf32, #tpu.memory_space<vmem>>
    tpu.wait_dma2 semaphore(%arg8 : memref<!tpu.dma_semaphore, #tpu.memory_space<semaphore_mem>>) src(%dma_wait3A_423 : memref<50x64xf32, #tpu.memory_space<vmem>>) dst(%dma_wait3A_419 : memref<50x64xf32, #tpu.memory_space<hbm>>)
    %dma_wait3A_424 = arith.constant 0 : i32
    %dma_wait3A_425 = arith.constant 0 : i32
    %dma_wait3A_426 = arith.constant 0 : i32
    %dma_wait3A_427 = tpu.memref_slice %arg6[%dma_wait3A_424, %dma_wait3A_425, %dma_wait3A_426] : memref<16x50x64xf32, #tpu.memory_space<vmem>> -> memref<1x50x64xf32, #tpu.memory_space<vmem>>
    %dma_wait3A_428 = tpu.memref_squeeze %dma_wait3A_427 : memref<1x50x64xf32, #tpu.memory_space<vmem>> -> memref<50x64xf32, #tpu.memory_space<vmem>>
    %dma_wait3A_429 = arith.constant 0 : i32
    %dma_wait3A_430 = arith.constant 0 : i32
    %dma_wait3A_431 = tpu.memref_slice %arg4[%mul3A_2, %dma_wait3A_429, %dma_wait3A_430] : memref<16384x50x64xf32, #tpu.memory_space<hbm>> -> memref<1x50x64xf32, #tpu.memory_space<hbm>>
    %dma_wait3A_432 = tpu.memref_squeeze %dma_wait3A_431 : memref<1x50x64xf32, #tpu.memory_space<hbm>> -> memref<50x64xf32, #tpu.memory_space<hbm>>
    %dma_wait3A_433 = arith.constant 0 : i32
    %dma_wait3A_434 = arith.constant 0 : i32
    %dma_wait3A_435 = tpu.memref_slice %arg4[%mul3A_2, %dma_wait3A_433, %dma_wait3A_434] : memref<16384x50x64xf32, #tpu.memory_space<hbm>> -> memref<1x50x64xf32, #tpu.memory_space<hbm>>
    %dma_wait3A_436 = tpu.memref_squeeze %dma_wait3A_435 : memref<1x50x64xf32, #tpu.memory_space<hbm>> -> memref<50x64xf32, #tpu.memory_space<hbm>>
    %dma_wait3A_437 = arith.constant 0 : i32
    %dma_wait3A_438 = arith.constant 0 : i32
    %dma_wait3A_439 = tpu.memref_slice %arg6[%dma_wait3A_424, %dma_wait3A_437, %dma_wait3A_438] : memref<16x50x64xf32, #tpu.memory_space<vmem>> -> memref<1x50x64xf32, #tpu.memory_space<vmem>>
    %dma_wait3A_440 = tpu.memref_squeeze %dma_wait3A_439 : memref<1x50x64xf32, #tpu.memory_space<vmem>> -> memref<50x64xf32, #tpu.memory_space<vmem>>
    tpu.wait_dma2 semaphore(%arg8 : memref<!tpu.dma_semaphore, #tpu.memory_space<semaphore_mem>>) src(%dma_wait3A_440 : memref<50x64xf32, #tpu.memory_space<vmem>>) dst(%dma_wait3A_436 : memref<50x64xf32, #tpu.memory_space<hbm>>)
    %dma_wait3A_441 = arith.constant 0 : i32
    %dma_wait3A_442 = arith.constant 0 : i32
    %dma_wait3A_443 = arith.constant 0 : i32
    %dma_wait3A_444 = tpu.memref_slice %arg6[%dma_wait3A_441, %dma_wait3A_442, %dma_wait3A_443] : memref<16x50x64xf32, #tpu.memory_space<vmem>> -> memref<1x50x64xf32, #tpu.memory_space<vmem>>
    %dma_wait3A_445 = tpu.memref_squeeze %dma_wait3A_444 : memref<1x50x64xf32, #tpu.memory_space<vmem>> -> memref<50x64xf32, #tpu.memory_space<vmem>>
    %dma_wait3A_446 = arith.constant 0 : i32
    %dma_wait3A_447 = arith.constant 0 : i32
    %dma_wait3A_448 = tpu.memref_slice %arg4[%mul3A_2, %dma_wait3A_446, %dma_wait3A_447] : memref<16384x50x64xf32, #tpu.memory_space<hbm>> -> memref<1x50x64xf32, #tpu.memory_space<hbm>>
    %dma_wait3A_449 = tpu.memref_squeeze %dma_wait3A_448 : memref<1x50x64xf32, #tpu.memory_space<hbm>> -> memref<50x64xf32, #tpu.memory_space<hbm>>
    %dma_wait3A_450 = arith.constant 0 : i32
    %dma_wait3A_451 = arith.constant 0 : i32
    %dma_wait3A_452 = tpu.memref_slice %arg4[%mul3A_2, %dma_wait3A_450, %dma_wait3A_451] : memref<16384x50x64xf32, #tpu.memory_space<hbm>> -> memref<1x50x64xf32, #tpu.memory_space<hbm>>
    %dma_wait3A_453 = tpu.memref_squeeze %dma_wait3A_452 : memref<1x50x64xf32, #tpu.memory_space<hbm>> -> memref<50x64xf32, #tpu.memory_space<hbm>>
    %dma_wait3A_454 = arith.constant 0 : i32
    %dma_wait3A_455 = arith.constant 0 : i32
    %dma_wait3A_456 = tpu.memref_slice %arg6[%dma_wait3A_441, %dma_wait3A_454, %dma_wait3A_455] : memref<16x50x64xf32, #tpu.memory_space<vmem>> -> memref<1x50x64xf32, #tpu.memory_space<vmem>>
    %dma_wait3A_457 = tpu.memref_squeeze %dma_wait3A_456 : memref<1x50x64xf32, #tpu.memory_space<vmem>> -> memref<50x64xf32, #tpu.memory_space<vmem>>
    tpu.wait_dma2 semaphore(%arg8 : memref<!tpu.dma_semaphore, #tpu.memory_space<semaphore_mem>>) src(%dma_wait3A_457 : memref<50x64xf32, #tpu.memory_space<vmem>>) dst(%dma_wait3A_453 : memref<50x64xf32, #tpu.memory_space<hbm>>)
    return
  }
}

</mosaic_0001>

<sc_bundles>
// kernel: kernel.3.cloned.1.call-start
scs
__scs_entry_jumppad:
0x0: {  	(pc) =	sbr.rel $0x88, $3  }
0x1: {  	(tag) =	ssettag $0x0;
	lr =	simm.s32 $0x1  }
0x2: {  	[smem:$0x3F9F] =	sst lr;
	_ =	strace $0xD0000000  }
0x3: {  	_ = 	snop  }
0x4: {  	_ = 	snop  }
0x5: {  	_ = 	snop  }
0x6: {  	_ = 	snop  }
0x7: {  	_ = 	snop  }
__scs_overlays_trampoline_lowered:
0x8: {  	[smem:$0x3FAE] =	sst s0  }
0x9: {  	[smem:$0x3FAF] =	sst s1  }
0xa: {  	[smem:$0x3FB0] =	sst s2  }
0xb: {  	[smem:$0x3FB1] =	sst s3  }
0xc: {  	[smem:$0x3FB2] =	sst s4  }
0xd: {  	[smem:$0x3FB3] =	sst s5  }
0xe: {  	[smem:$0x3FB4] =	sst s6  }
0xf: {  	[smem:$0x3FB5] =	sst s7  }
0x10: {  	[smem:$0x3FB6] =	sst s8  }
0x11: {  	[smem:$0x3FB7] =	sst s9;
	s0 =	simm.s32 @!p0 $0x0  }
0x12: {  	s1 =	sld [smem:$0x3F9D];
	s0 =	simm.s32 @p0 $0x1  }
0x13: {  	[smem:$0x3FB8] =	sst s0;
	s0 =	simm.s32 @!p1 $0x0  }
0x14: {  	s2 =	sld [smem:$0x3F9C];
	s0 =	simm.s32 @p1 $0x1  }
0x15: {  	[smem:$0x3FB9] =	sst s0;
	s0 =	simm.s32 @!p2 $0x0  }
0x16: {  	s3 =	sld [smem:$0x3FDB];
	s0 =	simm.s32 @p2 $0x1  }
0x17: {  	s4 =	simm.s32 $0x1BF5;
	[smem:$0x3FBB] =	sst s0  }
0x18: {  	s0 =	sld [smem:$0x3F9E];
	_ =	swait.ge [sflag:s4], $0x0  }
0x19: {  	s7 =	sld [smem:$0x3F9F]  }
0x1a: {  	s8 =	sadd.s32 $0xFFFFE003, lr  }
0x1b: {  	s9 =	sadd.s32 $0xFFFFFEF7, lr;
	s5 =	simm.s32 $0xFFFFFFFF;
	p2 =	slt.u32 s8, $0xFFFFF086  }
0x1c: {  	p1 =	slt.u32 s9, $0xF7A;
	s5 =	simm.s32 @!p2 $0x0  }
0x1d: {  	s5 =	simm.s32 @p1 $0x1;
	p0 =	seq.s32 s7, s2  }
0x1e: {  	s7 =	smul.u32 @!p0 $0xF7A, s2;
	p2 =	seq.s32 @!p0 s5, $0x0  }
0x1f: {  	s9 =	smul.u32 $0xF7A, s1;
	s8 =	simm.s32 @!p0 $0x1BF5;
	p2 =	por !p2, p0  }
0x20: {  	[sflag:s8] =	ssyncset.s32 @!p0 $0xFFFFF086;
	s6 =	sadd.s32 @!p0 s3, s7;
	s7 =	simm.s32 @!p0 $0x108  }
0x21: {  	s3 =	sadd.s32 s3, s9;
	s6 =	sadd.s32 @!p0 $0x88, s6;
	s7 =	simm.s32 @p2 $0x1082  }
0x22: {  	[simem:s7], [sflag:s8] =	dma.local @!p0 [hbm:s6], $0xF7A  }
0x23: {  	s9 =	sor.u32 $0xD0000000, s2;
	s6 =	simm.s32 $0x108;
	_ =	swait.ge @!p0 [sflag:s8], $0x0  }
0x24: {  	s3 =	sadd.s32 $0x88, s3;
	s6 =	simm.s32 @!p1 $0x1082;
	[sflag:s4] =	ssyncset.s32 $0xFFFFF086  }
0x25: {  	[simem:s6], [sflag:s4] =	dma.local [hbm:s3], $0xF7A  }
0x26: {  	[smem:$0x3F9F] =	sst s1;
	(tag) =	ssettag s2;
	_ =	strace s9  }
0x27: {  	s1 =	sld [smem:$0x3FAF]  }
0x28: {  	s2 =	sld [smem:$0x3FB0]  }
0x29: {  	s4 =	sld [smem:$0x3FB2]  }
0x2a: {  	p0 =	seq.s32 s5, $0x0;
	s5 =	sld [smem:$0x3FB3]  }
0x2b: {  	s6 =	sld [smem:$0x3FB4]  }
0x2c: {  	s7 =	sld [smem:$0x3FB5]  }
0x2d: {  	s3 =	simm.s32 $0x108;
	s8 =	sld [smem:$0x3FB6]  }
0x2e: {  	s3 =	simm.s32 @!p0 $0x1082;
	s9 =	sld [smem:$0x3FB7]  }
0x2f: {  	lr =	sadd.s32 s0, s3;
	s0 =	sld [smem:$0x3FAE]  }
0x30: {  	s3 =	sld [smem:$0x3FB1]  }
0x31: {  	[smem:$0x3FBA] =	sst s10  }
0x32: {  	s10 =	sld [smem:$0x3FB8];
	_ =	sdelay $0x3  }
0x33: {  	p0 =	seq.s32 s10, $0x1;
	s10 =	sld [smem:$0x3FBA];
	_ =	sdelay $0x3  }
0x34: {  	[smem:$0x3FBA] =	sst s10  }
0x35: {  	s10 =	sld [smem:$0x3FB9];
	_ =	sdelay $0x3  }
0x36: {  	p1 =	seq.s32 s10, $0x1;
	s10 =	sld [smem:$0x3FBA];
	_ =	sdelay $0x3  }
0x37: {  	[smem:$0x3FBA] =	sst s10  }
0x38: {  	s10 =	sld [smem:$0x3FBB]  }
0x39: {  	_ = 	snop;
	(pc) =	sbr.ind lr, $3  }
0x3a: {  	_ = 	snop  }
0x3b: {  	_ = 	snop  }
0x3c: {  	p2 =	seq.s32 s10, $0x1;
	s10 =	sld [smem:$0x3FBA]  }
0x3d: {  	_ =	shalt  }
0x3e: {  	_ =	shalt  }
0x3f: {  	_ =	shalt  }
0x40: {  	_ =	shalt  }
0x41: {  	_ =	shalt  }
0x42: {  	_ =	shalt  }
0x43: {  	_ =	shalt  }
0x44: {  	_ =	shalt  }
0x45: {  	_ =	shalt  }
0x46: {  	_ =	shalt  }
0x47: {  	_ =	shalt  }
0x48: {  	_ =	shalt  }
0x49: {  	_ =	shalt  }
0x4a: {  	_ =	shalt  }
0x4b: {  	_ =	shalt  }
0x4c: {  	_ =	shalt  }
0x4d: {  	_ =	shalt  }
0x4e: {  	_ =	shalt  }
0x4f: {  	_ =	shalt  }
0x50: {  	_ =	shalt  }
0x51: {  	_ =	shalt  }
0x52: {  	_ =	shalt  }
0x53: {  	_ =	shalt  }
0x54: {  	_ =	shalt  }
0x55: {  	_ =	shalt  }
0x56: {  	_ =	shalt  }
0x57: {  	_ =	shalt  }
0x58: {  	_ =	shalt  }
0x59: {  	_ =	shalt  }
0x5a: {  	_ =	shalt  }
0x5b: {  	_ =	shalt  }
0x5c: {  	_ =	shalt  }
0x5d: {  	_ =	shalt  }
0x5e: {  	_ =	shalt  }
0x5f: {  	_ =	shalt  }
0x60: {  	_ =	shalt  }
0x61: {  	_ =	shalt  }
0x62: {  	_ =	shalt  }
0x63: {  	_ =	shalt  }
0x64: {  	_ =	shalt  }
0x65: {  	_ =	shalt  }
0x66: {  	_ =	shalt  }
0x67: {  	_ =	shalt  }
0x68: {  	_ =	shalt  }
0x69: {  	_ =	shalt  }
0x6a: {  	_ =	shalt  }
0x6b: {  	_ =	shalt  }
0x6c: {  	_ =	shalt  }
0x6d: {  	_ =	shalt  }
0x6e: {  	_ =	shalt  }
0x6f: {  	_ =	shalt  }
0x70: {  	_ =	shalt  }
0x71: {  	_ =	shalt  }
0x72: {  	_ =	shalt  }
0x73: {  	_ =	shalt  }
0x74: {  	_ =	shalt  }
0x75: {  	_ =	shalt  }
0x76: {  	_ =	shalt  }
0x77: {  	_ =	shalt  }
0x78: {  	_ =	shalt  }
0x79: {  	_ =	shalt  }
0x7a: {  	_ =	shalt  }
0x7b: {  	_ =	shalt  }
0x7c: {  	_ =	shalt  }
0x7d: {  	_ =	shalt  }
0x7e: {  	_ =	shalt  }
0x7f: {  	_ =	shalt  }
0x80: {  	_ =	shalt  }
0x81: {  	_ =	shalt  }
0x82: {  	_ =	shalt  }
0x83: {  	_ =	shalt  }
0x84: {  	_ =	shalt  }
0x85: {  	_ =	shalt  }
0x86: {  	_ =	shalt  }
0x87: {  	_ =	shalt  }
.Lfunc_end0:
.L_simem_size_0:
called_computation.1_lowered:
.L_overlay_start_0:
0x88: {  	s2 =	sld [smem:$0x3FD9]  }
0x89: {  	s3 =	sld [smem:$0x3FFE];
	_ =	sdelay $0x1  }
0x8a: {  	s1 =	srdreg.scid  }
0x8b: {  	s0 =	sand.u32 $0x1, s1  }
0x8c: {  	s17 =	sshll.u32 s0, $0xA;
	s2 =	sadd.s32 s3, s2  }
0x8d: {  	s2 =	sadd.s32 s2, s17  }
0x8e: {  	[smem:$0x3FC6] =	sst s2  }
0x8f: {  	_ = 	snop  }
0x90: {  	s2 =	sld [smem:$0x3FD0];
	(tm) =	ssettm $0x1  }
0x91: {  	s18 =	sld [smem:$0x3FFB];
	_ =	sdelay $0x3  }
0x92: {  	_ =	strace s18  }
0x93: {  	s3 =	sld [smem:$0x3FFC];
	_ =	sdelay $0x3  }
0x94: {  	_ =	strace s3  }
0x95: {  	s3 =	sld [smem:$0x3FFD];
	_ =	sdelay $0x3  }
0x96: {  	_ =	strace s3  }
0x97: {  	_ =	strace $0x8FFFFFFF  }
0x98: {  	s19 =	sld [smem:$0x3FDB];
	_ =	sdelay $0x1  }
0x99: {  	s4 =	simm.s32 $_scs_section_size  }
0x9a: {  	s5 =	simm.s32 $_size__tile_overlayer_lowered;
	s6 =	simm.s32 $_tile_overlayer_lowered  }
0x9b: {  	s22 =	simm.s32 $0x1BFF;
	s21 =	sshll.u32 s6, $0x1;
	s3 =	sadd.s32 s4, s19  }
0x9c: {  	s7 =	simm.s32 $0x0;
	s20 =	sshll.u32 s5, $0x1;
	s5 =	sadd.s32 s21, s3  }
0x9d: {  	[timem:s7], [sflag:s22] =	dma.local [hbm:s5], s20  }
0x9e: {  	_ =	swait.ge [sflag:s22], s20  }
0x9f: {  	s4 =	ssub.s32 $0x0, s20;
	[sflag:s22] =	ssyncset.done $0x0  }
0xa0: {  	[sflag:s22] =	ssyncadd.s32 s4;
	_ =	sdelay $0x1  }
0xa1: {  	s23 =	simm.s32 $0x1B8B  }
0xa2: {  	_ =	swait.ge [sflag:s23], $0x1  }
0xa3: {  	[sflag:s23] =	ssyncset.done $0x0  }
0xa4: {  	s25 =	simm.s32 $0x1B8E;
	s24 =	sld [smem:$0x3FFE];
	[sflag:s23] =	ssyncadd.s32 $0xFFFFFFFF  }
0xa5: {  	s26 =	simm.s32 $execute0_lowered;
	[smem:$0x3FD2] =	sst s25  }
0xa6: {  	s5 =	sshll.u32 s26, $0x1;
	_ =	strace $0x80000046;
	[dreg:$0x1] =	wrdreg $0xFFFFFFFF  }
0xa7: {  	s28 =	simm.s32 $_size_execute0_lowered;
	s3 =	sadd.s32 s3, s5;
	[dreg:$0x0] =	wrdreg $0x0  }
0xa8: {  	s5 =	sshll.u32 s28, $0x1;
	[dreg:$0x2] =	wrdreg s3  }
0xa9: {  	[dreg:$0x3] =	wrdreg s5  }
0xaa: {  	[dreg:$0x4] =	wrdreg $0xC0  }
0xab: {  	_ =	task [dreg:s7], $0x5FFFF  }
0xac: {  	[dreg:$0x1] =	wrdreg $0xFFFFFFFF  }
0xad: {  	[dreg:$0x0] =	wrdreg $0x60  }
0xae: {  	[dreg:$0x2] =	wrdreg s24  }
0xaf: {  	[dreg:$0x3] =	wrdreg s2  }
0xb0: {  	[dreg:$0x4] =	wrdreg $0x9  }
0xb1: {  	_ =	task.clear_ibuf [dreg:s7], $0x5FFFF;
	_ =	strace $0x90000046  }
0xb2: {  	s29 =	simm.s32 $0x9;
	_ =	strace $0x80000048  }
0xb3: {  	_ =	swait.ge [sflag:s29], $0x1  }
0xb4: {  	[sflag:s29] =	ssyncadd.s32 $0xFFFFFFFF  }
0xb5: {  	_ =	strace $0x90000048  }
0xb6: {  	_ =	sfence  }
0xb7: {  	s30 =	sld [smem:$0x0];
	_ =	sdelay $0x2  }
0xb8: {  	s31 =	sshll.u32 s1, $0xD;
	s1 =	sshrl.u32 s1, $0x2  }
0xb9: {  	s3 =	sand.u32 $0x4000, s31;
	s1 =	sadd.s32 s1, s30  }
0xba: {  	s0 =	sor.u32 s3, s0;
	s1 =	sshll.u32 s1, $0x11  }
0xbb: {  	s0 =	sor.u32 s1, s0  }
0xbc: {  	s0 =	sadd.s32 $0x8F2B, s0  }
0xbd: {  	[sflag:s0] =	ssyncadd.remote.s32 $0x1  }
0xbe: {  	_ =	sfence.sel $0xFFFF  }
0xbf: {  	[dreg:$0x0] =	wrdreg $0xFFFFFFFF;
	(pc) =	sbr.abs _section_cstart, $3  }
0xc0: {  	[dreg:$0x1] =	wrdreg $0xFFFFFFFF  }
0xc1: {  	_ =	task.clear_ibuf [dreg:s7], $0x2FFFF;
	_ =	strace $0x9FFFFFFF  }
0xc2: {  	(tm) =	ssettm $0x7FFFFFFF  }
0xc3: {  	_ =	shalt  }
tec
execute0_lowered:
.L_overlay_start_1:
0x0: {  	(tag) =	ssettag $0x1  }
0x1: {  	s0 =	srdreg.scid;
	s1 =	rddreg [dreg:$0x0]  }
0x2: {  	s7 =	stileid.u32;
	s6 =	rddreg [dreg:$0x1];
	s10 =	simm.s32 $0x7000  }
0x3: {  	s11 =	simm.s32 $0x2A0;
	s12 =	simm.s32 $0x10600;
	s13 =	simm.s32 $0x2D8  }
0x4: {  	s14 =	simm.s32 $0x11280;
	s15 =	simm.s32 $0x310;
	s16 =	simm.s32 $0x11F00  }
0x5: {  	s17 =	simm.s32 $0x348;
	s18 =	simm.s32 $0x12B80;
	s19 =	simm.s32 $0x1  }
0x6: {  	s20 =	simm.s32 $0x2;
	s21 =	simm.s32 $0x0;
	s0 =	sand.u32 $0x1, s0  }
0x7: {  	s2 =	sshll.u32 s7, $0xA;
	s7 =	smul.u32 $0x64000, s7;
	s3 =	sshll.u32 s0, $0x9  }
0x8: {  	s31 =	ssub.s32 $0x2, s0;
	s0 =	smul.u32 $0x32000, s0;
	s4 =	sor.u32 s3, s2  }
0x9: {  	s2 =	simm.s32 $0x0;
	s8 =	sshrl.u32 s31, $0x1;
	s7 =	sadd.s32 s7, s6  }
0xa: {  	s3 =	smul.u32 $0x7, s4;
	[smem:$0x7FF] =	sst s2;
	s0 =	sadd.s32 s0, s7  }
0xb: {  	s9 =	smul.u32 $0x190, s4;
	_ =	strace $0x80000047;
	s26 =	sadd.s32 $0x190, s0  }
0xc: {  	s0 =	simm.s32 $0xF980;
	s5 =	sadd.s32 s3, s1;
	s3 =	sadd.s32 $0xF42E00, s1  }
0xd: {  	s1 =	ssub.s32 s31, s8;
	s6 =	sadd.s32 s6, s9;
	s8 =	simm.s32 $0x3  }
0xe: {  	s9 =	simm.s32 $0x32;
	s4 =	sadd.s32 $0xA00, s5;
	s5 =	smax.u32 s1, $0x1  }
.LBB2_1:
0xf: {  	[tilespmem:s2], [sflag:$0x3] =	stream.linear.gather [hbm4b:s4+s2], $0x7000, $0x38;
	[tilespmem:$0x13800] =	vst v63  }
0x10: {  	_ =	swait.ge [sflag:s8], $0x7000  }
0x11: {  	[sflag:s8] =	ssyncset.done $0x0  }
0x12: {  	[sflag:s8] =	ssyncadd.s32 $0xFFFF9000  }
0x13: {  	[tilespmem:s10], [sflag:$0x1] =	stream.indirect.gather [hbm4b:s3+s9], $0x40, s2, s9, $0xb8;
	[tilespmem:$0x13800] =	vst v63  }
0x14: {  	s1 =	simm.s32 $0x38;
	s7 =	simm.s32 $0x7C80  }
0x15: {  	[tilespmem:s7], [sflag:$0x1] =	stream.indirect.gather [hbm4b:s3+s9], $0x40, s1, s9, $0xb8;
	[tilespmem:$0x13800] =	vst v63  }
0x16: {  	s22 =	simm.s32 $0x70;
	s23 =	simm.s32 $0x8900  }
0x17: {  	[tilespmem:s23], [sflag:$0x1] =	stream.indirect.gather [hbm4b:s3+s9], $0x40, s22, s9, $0xb8;
	[tilespmem:$0x13800] =	vst v63  }
0x18: {  	s24 =	simm.s32 $0xA8;
	s25 =	simm.s32 $0x9580  }
0x19: {  	[tilespmem:s25], [sflag:$0x1] =	stream.indirect.gather [hbm4b:s3+s9], $0x40, s24, s9, $0xb8;
	[tilespmem:$0x13800] =	vst v63  }
0x1a: {  	s30 =	simm.s32 $0xE0;
	s31 =	simm.s32 $0xA200  }
0x1b: {  	[tilespmem:s31], [sflag:$0x1] =	stream.indirect.gather [hbm4b:s3+s9], $0x40, s30, s9, $0xb8;
	[tilespmem:$0x13800] =	vst v63  }
0x1c: {  	s22 =	simm.s32 $0x118;
	s23 =	simm.s32 $0xAE80  }
0x1d: {  	[tilespmem:s23], [sflag:$0x1] =	stream.indirect.gather [hbm4b:s3+s9], $0x40, s22, s9, $0xb8;
	[tilespmem:$0x13800] =	vst v63  }
0x1e: {  	s24 =	simm.s32 $0x150;
	s25 =	simm.s32 $0xBB00  }
0x1f: {  	[tilespmem:s25], [sflag:$0x1] =	stream.indirect.gather [hbm4b:s3+s9], $0x40, s24, s9, $0xb8;
	[tilespmem:$0x13800] =	vst v63  }
0x20: {  	s30 =	simm.s32 $0x188;
	s31 =	simm.s32 $0xC780  }
0x21: {  	[tilespmem:s31], [sflag:$0x1] =	stream.indirect.gather [hbm4b:s3+s9], $0x40, s30, s9, $0xb8;
	[tilespmem:$0x13800] =	vst v63  }
0x22: {  	s7 =	simm.s32 $0x1C0;
	s22 =	simm.s32 $0xD400  }
0x23: {  	[tilespmem:s22], [sflag:$0x1] =	stream.indirect.gather [hbm4b:s3+s9], $0x40, s7, s9, $0xb8;
	[tilespmem:$0x13800] =	vst v63  }
0x24: {  	s23 =	simm.s32 $0x1F8;
	s24 =	simm.s32 $0xE080  }
0x25: {  	[tilespmem:s24], [sflag:$0x1] =	stream.indirect.gather [hbm4b:s3+s9], $0x40, s23, s9, $0xb8;
	[tilespmem:$0x13800] =	vst v63  }
0x26: {  	s25 =	simm.s32 $0x230;
	s30 =	simm.s32 $0xED00  }
0x27: {  	[tilespmem:s30], [sflag:$0x1] =	stream.indirect.gather [hbm4b:s3+s9], $0x40, s25, s9, $0xb8;
	[tilespmem:$0x13800] =	vst v63  }
0x28: {  	s31 =	simm.s32 $0x268  }
0x29: {  	[tilespmem:s0], [sflag:$0x1] =	stream.indirect.gather [hbm4b:s3+s9], $0x40, s31, s9, $0xb8;
	[tilespmem:$0x13800] =	vst v63  }
0x2a: {  	_ = 	snop  }
0x2b: {  	[tilespmem:s12], [sflag:$0x1] =	stream.indirect.gather [hbm4b:s3+s9], $0x40, s11, s9, $0xb8;
	[tilespmem:$0x13800] =	vst v63  }
0x2c: {  	_ = 	snop  }
0x2d: {  	[tilespmem:s14], [sflag:$0x1] =	stream.indirect.gather [hbm4b:s3+s9], $0x40, s13, s9, $0xb8;
	[tilespmem:$0x13800] =	vst v63  }
0x2e: {  	_ = 	snop  }
0x2f: {  	[tilespmem:s16], [sflag:$0x1] =	stream.indirect.gather [hbm4b:s3+s9], $0x40, s15, s9, $0xb8;
	[tilespmem:$0x13800] =	vst v63  }
0x30: {  	p0 =	por $0x0, $0x0;
	s28 =	simm.s32 $0x1  }
0x31: {  	[tilespmem:s18], [sflag:$0x1] =	stream.indirect.gather [hbm4b:s3+s9], $0x40, s17, s9, $0xb8;
	[tilespmem:$0x13800] =	vst v63  }
0x32: {  	s28 =	sand.u32 $0xF, s28;
	s7 =	simm.s32 $0x10;
	_ =	swait.ge [sflag:s19], $0xC80  }
0x33: {  	s29 =	smul.u32 $0x3200, s28;
	s7 =	sand.u32 @!p0 $0xF, s7;
	[sflag:s19] =	ssyncset.done $0x0  }
0x34: {  	s7 =	smul.u32 @!p0 $0x3200, s7;
	s23 =	simm.s32 @!p0 $0x2;
	[sflag:s19] =	ssyncadd.s32 $0xFFFFF380  }
0x35: {  	[hbm4b:s6+s2] =	stream.linear.scatter [tilespmem:s10], [sflag:$0x2], $0xC80, $0x38;
	[tilespmem:$0x13800] =	vst v63  }
0x36: {  	s28 =	simm.s32 $0x2;
	s22 =	simm.s32 $0x380;
	_ =	swait.ge @!p0 [sflag:s23], $0xC80  }
0x37: {  	s24 =	simm.s32 $0x12;
	s7 =	sshrl.u32 @!p0 s7, $0x2;
	[sflag:s23] =	ssyncset.done @!p0 $0x0  }
0x38: {  	s7 =	sadd.s32 @!p0 $0x7000, s7;
	[sflag:s23] =	ssyncadd.s32 @!p0 $0xFFFFF380;
	s23 =	simm.s32 @!p0 $0x32  }
0x39: {  	[tilespmem:s7], [sflag:$0x1] =	stream.indirect.gather @!p0 [hbm4b:s3+s23], $0x40, s22, s23, $0xb8;
	[tilespmem:$0x13800] =	vst v63  }
0x3a: {  	s25 =	simm.s32 $0x11;
	s22 =	sadd.s32 $0x190, s26;
	_ =	swait.ge [sflag:s19], $0xC80  }
0x3b: {  	s23 =	simm.s32 $0x3B8;
	s7 =	smov.u32 s26;
	[sflag:s19] =	ssyncset.done $0x0  }
.LBB2_2:
0x3c: {  	p0 =	sgt.u32 s28, $0x1F0;
	s29 =	sshrl.u32 s29, $0x2;
	s30 =	smov.u32 s24  }
0x3d: {  	s24 =	sadd.s32 $0x1, s24;
	s31 =	smov.u32 s7;
	s7 =	smov.u32 s22  }
0x3e: {  	s25 =	sand.u32 @!p0 $0xF, s25;
	s1 =	simm.s32 @!p0 $0x2;
	s29 =	sadd.s32 $0x7000, s29  }
0x3f: {  	p1 =	sne.s32 s24, $0x20F;
	s25 =	smul.u32 @!p0 $0x3200, s25;
	[sflag:s19] =	ssyncadd.s32 $0xFFFFF380  }
0x40: {  	[hbm4b:s31+s2] =	stream.linear.scatter [tilespmem:s29], [sflag:$0x2], $0xC80, $0x38;
	[tilespmem:$0x13800] =	vst v63  }
0x41: {  	_ =	swait.ge @!p0 [sflag:s1], $0xC80;
	s29 =	sshrl.u32 @!p0 s25, $0x2;
	s25 =	smov.u32 s30  }
.Ltmp0:
0x42: {  	[sflag:s1] =	ssyncset.done @!p0 $0x0;
	s29 =	sadd.s32 @!p0 $0x7000, s29;
	(pc) =	sbr.rel @p1 .LBB2_2-.Ltmp0, $4  }
0x43: {  	s28 =	sand.u32 $0xF, s28;
	[sflag:s1] =	ssyncadd.s32 @!p0 $0xFFFFF380;
	s1 =	simm.s32 @!p0 $0x32  }
0x44: {  	[tilespmem:s29], [sflag:$0x1] =	stream.indirect.gather @!p0 [hbm4b:s3+s1], $0x40, s23, s1, $0xb8;
	[tilespmem:$0x13800] =	vst v63  }
0x45: {  	s22 =	sadd.s32 $0x190, s22;
	s29 =	smul.u32 $0x3200, s28;
	_ =	swait.ge [sflag:s19], $0xC80  }
0x46: {  	s28 =	sadd.s32 $0xFFFFFFF1, s25;
	s23 =	sadd.s32 $0x38, s23;
	[sflag:s19] =	ssyncset.done $0x0  }
0x47: {  	p0 =	sgt.u32 s28, $0x1F0  }
0x48: {  	s1 =	sshrl.u32 s29, $0x2;
	[sflag:s19] =	ssyncadd.s32 $0xFFFFF380;
	s24 =	sand.u32 @!p0 $0xF, s25  }
0x49: {  	s25 =	simm.s32 @!p0 $0x2;
	s1 =	sadd.s32 $0x7000, s1;
	s24 =	smul.u32 @!p0 $0x3200, s24  }
0x4a: {  	[hbm4b:s7+s2] =	stream.linear.scatter [tilespmem:s1], [sflag:$0x2], $0xC80, $0x38;
	[tilespmem:$0x13800] =	vst v63  }
0x4b: {  	s30 =	sand.u32 $0xF, s28;
	_ =	swait.ge @!p0 [sflag:s25], $0xC80  }
0x4c: {  	s31 =	smul.u32 $0x3200, s30;
	s1 =	sshrl.u32 @!p0 s24, $0x2;
	[sflag:s25] =	ssyncset.done @!p0 $0x0  }
0x4d: {  	s24 =	simm.s32 @!p0 $0x32;
	s1 =	sadd.s32 @!p0 $0x7000, s1;
	[sflag:s25] =	ssyncadd.s32 @!p0 $0xFFFFF380  }
0x4e: {  	[tilespmem:s1], [sflag:$0x1] =	stream.indirect.gather @!p0 [hbm4b:s3+s24], $0x40, s23, s24, $0xb8;
	[tilespmem:$0x13800] =	vst v63  }
0x4f: {  	_ =	swait.ge [sflag:s19], $0xC80  }
0x50: {  	s1 =	sshrl.u32 s31, $0x2;
	[sflag:s19] =	ssyncset.done $0x0  }
0x51: {  	s1 =	sadd.s32 $0x7000, s1;
	[sflag:s19] =	ssyncadd.s32 $0xFFFFF380  }
0x52: {  	[hbm4b:s22+s2] =	stream.linear.scatter [tilespmem:s1], [sflag:$0x2], $0xC80, $0x38;
	[tilespmem:$0x13800] =	vst v63  }
0x53: {  	_ =	swait.ge [sflag:s20], $0xC80  }
0x54: {  	[sflag:s20] =	ssyncset.done $0x0  }
0x55: {  	[sflag:s20] =	ssyncadd.s32 $0xFFFFF380  }
0x56: {  	_ =	swait.ge [sflag:s20], $0xC80  }
0x57: {  	[sflag:s20] =	ssyncset.done $0x0  }
0x58: {  	[sflag:s20] =	ssyncadd.s32 $0xFFFFF380  }
0x59: {  	_ =	swait.ge [sflag:s20], $0xC80  }
0x5a: {  	[sflag:s20] =	ssyncset.done $0x0  }
0x5b: {  	[sflag:s20] =	ssyncadd.s32 $0xFFFFF380  }
0x5c: {  	_ =	swait.ge [sflag:s20], $0xC80  }
0x5d: {  	[sflag:s20] =	ssyncset.done $0x0  }
0x5e: {  	[sflag:s20] =	ssyncadd.s32 $0xFFFFF380  }
0x5f: {  	_ =	swait.ge [sflag:s20], $0xC80  }
0x60: {  	[sflag:s20] =	ssyncset.done $0x0  }
0x61: {  	[sflag:s20] =	ssyncadd.s32 $0xFFFFF380  }
0x62: {  	_ =	swait.ge [sflag:s20], $0xC80  }
0x63: {  	[sflag:s20] =	ssyncset.done $0x0  }
0x64: {  	[sflag:s20] =	ssyncadd.s32 $0xFFFFF380  }
0x65: {  	_ =	swait.ge [sflag:s20], $0xC80  }
0x66: {  	[sflag:s20] =	ssyncset.done $0x0  }
0x67: {  	[sflag:s20] =	ssyncadd.s32 $0xFFFFF380  }
0x68: {  	_ =	swait.ge [sflag:s20], $0xC80  }
0x69: {  	[sflag:s20] =	ssyncset.done $0x0  }
0x6a: {  	[sflag:s20] =	ssyncadd.s32 $0xFFFFF380  }
0x6b: {  	_ =	swait.ge [sflag:s20], $0xC80  }
0x6c: {  	[sflag:s20] =	ssyncset.done $0x0  }
0x6d: {  	[sflag:s20] =	ssyncadd.s32 $0xFFFFF380  }
0x6e: {  	_ =	swait.ge [sflag:s20], $0xC80  }
0x6f: {  	[sflag:s20] =	ssyncset.done $0x0  }
0x70: {  	[sflag:s20] =	ssyncadd.s32 $0xFFFFF380  }
0x71: {  	_ =	swait.ge [sflag:s20], $0xC80  }
0x72: {  	[sflag:s20] =	ssyncset.done $0x0  }
0x73: {  	[sflag:s20] =	ssyncadd.s32 $0xFFFFF380  }
0x74: {  	_ =	swait.ge [sflag:s20], $0xC80  }
0x75: {  	[sflag:s20] =	ssyncset.done $0x0  }
0x76: {  	[sflag:s20] =	ssyncadd.s32 $0xFFFFF380  }
0x77: {  	_ =	swait.ge [sflag:s20], $0xC80  }
0x78: {  	[sflag:s20] =	ssyncset.done $0x0  }
0x79: {  	[sflag:s20] =	ssyncadd.s32 $0xFFFFF380  }
0x7a: {  	_ =	swait.ge [sflag:s20], $0xC80  }
0x7b: {  	[sflag:s20] =	ssyncset.done $0x0  }
0x7c: {  	s21 =	sadd.s32 $0x1, s21;
	[sflag:s20] =	ssyncadd.s32 $0xFFFFF380  }
0x7d: {  	p0 =	sne.s32 s21, s5;
	_ =	swait.ge [sflag:s20], $0xC80  }
.Ltmp1:
0x7e: {  	[sflag:s20] =	ssyncset.done $0x0;
	(pc) =	sbr.rel @p0 .LBB2_1-.Ltmp1, $4  }
0x7f: {  	[sflag:s20] =	ssyncadd.s32 $0xFFFFF380  }
0x80: {  	_ =	swait.ge [sflag:s20], $0xC80  }
0x81: {  	[sflag:s20] =	ssyncset.done $0x0  }
0x82: {  	[sflag:s20] =	ssyncadd.s32 $0xFFFFF380  }
0x83: {  	_ =	sfence.sel $0x180000  }
0x84: {  	[bflag:$0x0] =	sbarrier.arrive $0xFFFF  }
0x85: {  	_ =	strace $0x90000047  }
0x86: {  	s0 =	stileid.u32;
	[bflag:$0x2] =	sbarrier.arrive $0xFFFF  }
0x87: {  	p0 =	sne.s32 s0, $0x0;
	s0 =	rddreg [dreg:$0x2]  }
0x88: {  	s0 =	sadd.s32 @!p0 $0x100000, s0  }
0x89: {  	[sflag:s0] =	ssyncadd.tile.s32 @!p0 $0x1;
	_ =	shalt  }
.Lfunc_end2:
_tile_overlayer_lowered:
.L_overlay_start_2:
0x8a: {  	(tag) =	ssettag $0x2  }
0x8b: {  	s0 =	rddreg [dreg:$0x0];
	s2 =	stileid.u32  }
0x8c: {  	s1 =	rddreg [dreg:$0x1];
	p0 =	sne.s32 s2, $0x0  }
0x8d: {  	s3 =	rddreg [dreg:$0x2];
	[bflag:$0x3] =	sbarrier.arrive $0xFFFF;
	s2 =	simm.s32 @!p0 $0x1C03  }
0x8e: {  	[timem:s3], [sflag:s2] =	dma.local @!p0 [hbm:s0], s1  }
0x8f: {  	s0 =	simm.s32 @!p0 $0x3  }
0x90: {  	_ =	swait.ge @!p0 [sflag:s0], s1  }
0x91: {  	s1 =	ssub.s32 @!p0 $0x0, s1;
	[sflag:s0] =	ssyncset.done @!p0 $0x0  }
0x92: {  	[sflag:s0] =	ssyncadd.s32 @!p0 s1  }
0x93: {  	[bflag:$0x3] =	sbarrier.arrive $0xFFFF  }
0x94: {  	_ =	shalt  }

// kernel: sparse-core-data-format-call.cloned.1.call-start
scs
called_computation_lowered:
.L_overlay_start_0:
0x0: {  	s2 =	sld [smem:$0x3FD9]  }
0x1: {  	s3 =	sld [smem:$0x3FFE];
	_ =	sdelay $0x1  }
0x2: {  	s1 =	srdreg.scid  }
0x3: {  	s0 =	sand.u32 $0x1, s1  }
0x4: {  	s18 =	sshll.u32 s0, $0xA;
	s2 =	sadd.s32 s3, s2  }
0x5: {  	s2 =	sadd.s32 s2, s18  }
0x6: {  	[smem:$0x3FC6] =	sst s2  }
0x7: {  	_ = 	snop  }
0x8: {  	s2 =	sld [smem:$0x3FD0];
	(tm) =	ssettm $0x1  }
0x9: {  	s19 =	sld [smem:$0x3FFB];
	_ =	sdelay $0x3  }
0xa: {  	_ =	strace s19  }
0xb: {  	s3 =	sld [smem:$0x3FFC];
	_ =	sdelay $0x3  }
0xc: {  	_ =	strace s3  }
0xd: {  	s3 =	sld [smem:$0x3FFD];
	_ =	sdelay $0x3  }
0xe: {  	_ =	strace s3  }
0xf: {  	_ =	strace $0x8FFFFFFF  }
0x10: {  	s20 =	sld [smem:$0x3FDB];
	_ =	sdelay $0x1  }
0x11: {  	s4 =	simm.s32 $_scs_section_size  }
0x12: {  	s5 =	simm.s32 $_size__tile_overlayer_lowered;
	s6 =	simm.s32 $_tile_overlayer_lowered  }
0x13: {  	s23 =	simm.s32 $0x1BFF;
	s22 =	sshll.u32 s6, $0x1;
	s3 =	sadd.s32 s4, s20  }
0x14: {  	s7 =	simm.s32 $0x0;
	s21 =	sshll.u32 s5, $0x1;
	s5 =	sadd.s32 s22, s3  }
0x15: {  	[timem:s7], [sflag:s23] =	dma.local [hbm:s5], s21  }
0x16: {  	_ =	swait.ge [sflag:s23], s21  }
0x17: {  	s4 =	ssub.s32 $0x0, s21;
	[sflag:s23] =	ssyncset.done $0x0  }
0x18: {  	[sflag:s23] =	ssyncadd.s32 s4;
	_ =	sdelay $0x1  }
0x19: {  	s24 =	simm.s32 $0x1B8B  }
0x1a: {  	_ =	swait.ge [sflag:s24], $0x1  }
0x1b: {  	[sflag:s24] =	ssyncset.done $0x0  }
0x1c: {  	s26 =	simm.s32 $0x1B8E;
	s25 =	sld [smem:$0x3FFE];
	[sflag:s24] =	ssyncadd.s32 $0xFFFFFFFF  }
0x1d: {  	s27 =	simm.s32 $execute0_lowered;
	[smem:$0x3FD2] =	sst s26  }
0x1e: {  	s5 =	sshll.u32 s27, $0x1;
	_ =	strace $0x80000049;
	[dreg:$0x1] =	wrdreg $0xFFFFFFFF  }
0x1f: {  	s28 =	simm.s32 $_size_execute0_lowered;
	s3 =	sadd.s32 s3, s5;
	[dreg:$0x0] =	wrdreg $0x0  }
0x20: {  	s5 =	sshll.u32 s28, $0x1;
	[dreg:$0x2] =	wrdreg s3  }
0x21: {  	[dreg:$0x3] =	wrdreg s5  }
0x22: {  	[dreg:$0x4] =	wrdreg $0xC0  }
0x23: {  	_ =	task [dreg:s7], $0x5FFFF  }
0x24: {  	[dreg:$0x1] =	wrdreg $0xFFFFFFFF  }
0x25: {  	[dreg:$0x0] =	wrdreg $0x60  }
0x26: {  	[dreg:$0x2] =	wrdreg s25  }
0x27: {  	[dreg:$0x3] =	wrdreg s2  }
0x28: {  	[dreg:$0x4] =	wrdreg $0x9  }
0x29: {  	_ =	task.clear_ibuf [dreg:s7], $0x5FFFF;
	_ =	strace $0x90000049  }
0x2a: {  	s29 =	simm.s32 $0x9;
	_ =	strace $0x8000004B  }
0x2b: {  	_ =	swait.ge [sflag:s29], $0x1  }
0x2c: {  	[sflag:s29] =	ssyncadd.s32 $0xFFFFFFFF  }
0x2d: {  	_ =	strace $0x9000004B  }
0x2e: {  	_ =	sfence  }
0x2f: {  	s30 =	sld [smem:$0x0];
	_ =	sdelay $0x2  }
0x30: {  	s31 =	sshll.u32 s1, $0xD;
	s1 =	sshrl.u32 s1, $0x2  }
0x31: {  	s3 =	sand.u32 $0x4000, s31;
	s1 =	sadd.s32 s1, s30  }
0x32: {  	s0 =	sor.u32 s3, s0;
	s1 =	sshll.u32 s1, $0x11  }
0x33: {  	s0 =	sor.u32 s1, s0  }
0x34: {  	s0 =	sadd.s32 $0x8F2B, s0  }
0x35: {  	[sflag:s0] =	ssyncadd.remote.s32 $0x1  }
0x36: {  	_ =	sfence.sel $0xFFFF  }
0x37: {  	[dreg:$0x0] =	wrdreg $0xFFFFFFFF;
	(pc) =	sbr.abs _section_cstart, $3  }
0x38: {  	[dreg:$0x1] =	wrdreg $0xFFFFFFFF  }
0x39: {  	_ =	task.clear_ibuf [dreg:s7], $0x2FFFF;
	_ =	strace $0x9FFFFFFF  }
0x3a: {  	(tm) =	ssettm $0x7FFFFFFF  }
0x3b: {  	_ =	shalt  }
tec
execute0_lowered:
.L_overlay_start_1:
0x0: {  	(tag) =	ssettag $0x1  }
0x1: {  	s0 =	srdreg.scid  }
0x2: {  	s1 =	sshll.u32 s0, $0x4  }
0x3: {  	s0 =	stileid.u32;
	s1 =	sand.u32 $0x10, s1  }
0x4: {  	s1 =	sor.u32 s0, s1  }
0x5: {  	s6 =	rddreg [dreg:$0x0];
	s4 =	simm.s32 $0x1;
	s2 =	sshll.u32 s1, $0x7  }
0x6: {  	s7 =	simm.s32 $0x2;
	s12 =	simm.s32 $0x0;
	s1 =	ssub.s32 $0x4000, s2  }
0x7: {  	s8 =	simm.s32 $0x20000;
	s13 =	simm.s32 $0x0;
	s3 =	sand.u32 $0xF80, s1  }
0x8: {  	s9 =	simm.s32 $0x0;
	s5 =	sshrl.u32 s1, $0xC;
	p0 =	sne.s32 s3, $0x0  }
.Ltmp0:
0x9: {  	s1 =	rddreg [dreg:$0x2];
	s4 =	simm.s32 @!p0 $0x0;
	(pc) =	sbr.rel .LBB1_1-.Ltmp0, $4  }
0xa: {  	s11 =	simm.s32 $0x0;
	s3 =	rddreg [dreg:$0x1];
	s5 =	sadd.s32 s4, s5  }
0xb: {  	_ =	strace $0x8000004A;
	s4 =	simm.s32 $0x1;
	s5 =	smul.u32 $0x32, s5  }
0xc: {  	s6 =	sadd.s32 $0xA00, s6;
	s10 =	smov.u32 s2;
	[sflag:s4] =	ssyncpa.u1 $0x0  }
0xd: {  	p0 =	por $0x0, $0x0;
	[sflag:s7] =	ssyncpa.u1 $0x0;
	s7 =	sor.u32 $0x1, s5  }
.LBB1_4:
0xe: {  	s16 =	sshll.u32 s13, $0x3;
	s17 =	sand.u32 $0x78, s13  }
0xf: {  	s30 =	sand.u32 $0x1F800, s13;
	s12 =	sshll.u32 s12, $0x11;
	s16 =	sand.u32 $0x3C00, s16  }
0x10: {  	[tilespmem:s15+$0x810 ss:$0x81] =	vst.msk $0xffff, v2;
	s31 =	sand.u32 $0x7, s13;
	s16 =	sor.u32 s17, s16;
	s17 =	sadd.s32 s3, s30  }
0x11: {  	[tilespmem:s15+$0x1020 ss:$0x81] =	vst.msk $0xffff, v0;
	s13 =	sshll.u32 s31, $0x12;
	s12 =	sadd.s32 s12, s17;
	s16 =	sshrl.u32 s16, $0x3  }
0x12: {  	[tilespmem:s15+$0x0 ss:$0x81] =	vst.msk $0xffff, v1;
	s13 =	sor.u32 $0x400, s13;
	s12 =	sadd.s32 s16, s12  }
0x13: {  	[hbm4b:s12+s13] =	stream.strided.scatter [tilespmem:s14], [sflag:$0x2], $0x2000, s8, s13, $0x20;
	[tilespmem:$0x8080] =	vst v63  }
.LBB1_5:
0x14: {  	s14 =	sadd.s32 $0x1, s9  }
0x15: {  	s12 =	sadd.s32 $0x1000, s10;
	s16 =	smov.u32 s10;
	p2 =	sgt.s32 s14, $0x31  }
0x16: {  	s16 =	smov.u32 @p2 s12  }
0x17: {  	s14 =	simm.s32 @p2 $0x0;
	p2 =	sgt.s32 s16, $0x3FFF  }
0x18: {  	s16 =	smov.u32 @p2 s2;
	p2 =	sne.s32 s11, s7  }
.Ltmp1:
0x19: {  	p1 =	slt.u32 s11, $0x2;
	(pc) =	sbr.rel @!p2 .LBB1_6-.Ltmp1, $4  }
0x1a: {  	s15 =	simm.s32 @!p1 $0x2  }
0x1b: {  	s13 =	smov.u32 s10;
	p0 =	por !p0, !p0;
	_ =	swait.ge @!p1 [sflag:s15], $0x2000  }
0x1c: {  	s12 =	smov.u32 s9;
	[sflag:s15] =	ssyncset.done @!p1 $0x0;
	s9 =	smov.u32 s14  }
0x1d: {  	s11 =	sadd.s32 $0x1, s11;
	[sflag:s15] =	ssyncadd.s32 @!p1 $0xFFFFE000;
	s10 =	smov.u32 s16  }
.LBB1_1:
0x1e: {  	p1 =	sge.u32 s11, s5  }
0x1f: {  	s14 =	sand.u32 @!p1 $0x1FFFFFF, s9  }
0x20: {  	s15 =	smulhi.u32 @!p1 $0x4924925, s14;
	_ =	sdelay $0x1  }
0x21: {  	s15 =	smul.u32 @!p1 $0x38, s15  }
0x22: {  	s16 =	sxor.u32 @!p1 $0xFFFFFFFF, s11;
	s17 =	smul.u32 @!p1 $0x380, s10  }
0x23: {  	s31 =	sadd.s32 $0xFFFFFFFF, s11;
	s16 =	sshll.u32 @!p1 s16, $0xD;
	s14 =	ssub.s32 @!p1 s14, s15  }
0x24: {  	s15 =	sand.u32 @!p1 $0x2000, s16;
	s16 =	sadd.s32 @!p1 s6, s17;
	s14 =	sshll.u32 @!p1 s14, $0x4  }
0x25: {  	s17 =	simm.s32 @!p1 $0x1C00;
	s14 =	sadd.s32 @!p1 s14, s16;
	s16 =	simm.s32 @!p1 $0x40  }
0x26: {  	[tilespmem:s15], [sflag:$0x1] =	stream.strided.gather @!p1 [hbm4b:s14+s16], $0x2000, s17, s16, $0x38;
	[tilespmem:$0x8080] =	vst v63  }
0x27: {  	p1 =	sge.u32 s31, s5  }
.Ltmp2:
0x28: {  	_ = 	snop;
	(pc) =	sbr.rel @p1 .LBB1_5-.Ltmp2, $1  }
0x29: {  	_ =	sdelay $0x3  }
0x2a: {  	s14 =	simm.s32 $0x1  }
0x2b: {  	_ =	swait.ge [sflag:s4], $0x2000;
	s14 =	simm.s32 @!p0 $0x0  }
0x2c: {  	[sflag:s4] =	ssyncset.done $0x0;
	s15 =	sshll.u32 s14, $0xD  }
0x2d: {  	[sflag:s4] =	ssyncadd.s32 $0xFFFFE000;
	s18 =	sor.u32 $0x20, s15  }
0x2e: {  	s14 =	smul.u32 $0x8100, s14;
	v3 =	vld [tilespmem:s18+$0x10]  }
0x2f: {  	s30 =	sand.u32 $0x1, s11;
	v2 =	vld [tilespmem:s18+$0xFFFFFFF0]  }
0x30: {  	s15 =	smul.u32 $0x8100, s30;
	s14 =	sshrl.u32 s14, $0x2;
	v0 =	vld [tilespmem:s18+$0x0]  }
0x31: {  	v1 =	vld [tilespmem:s18+$0xFFFFFFE0];
	s16 =	sor.u32 $0x4000, s14  }
0x32: {  	s31 =	sshrl.u32 s15, $0x2;
	s15 =	sadd.s32 $0x0, s16  }
0x33: {  	s17 =	simm.s32 $0x4;
	s18 =	sadd.s32 $0x40, s18;
	s14 =	sor.u32 $0x4000, s31;
	[tilespmem:s15+$0x1830 ss:$0x81] =	vst.msk $0xffff, v3  }
.LBB1_3:
0x34: {  	v3 =	vld [tilespmem:s18+$0x10];
	p1 =	sne.s32 s17, $0x1FC;
	[tilespmem:s15+$0x810 ss:$0x81] =	vst.msk $0xffff, v2;
	s19 =	smov.u32 s17;
	s17 =	sadd.s32 $0x4, s17  }
.Ltmp3:
0x35: {  	v2 =	vld [tilespmem:s18+$0xFFFFFFF0];
	[tilespmem:s15+$0x1020 ss:$0x81] =	vst.msk $0xffff, v0;
	(pc) =	sbr.rel @p1 .LBB1_3-.Ltmp3, $4  }
0x36: {  	v0 =	vld [tilespmem:s18+$0x0];
	[tilespmem:s15+$0x0 ss:$0x81] =	vst.msk $0xffff, v1  }
0x37: {  	s15 =	sshra.s32 s19, $0x2;
	v1 =	vld [tilespmem:s18+$0xFFFFFFE0]  }
0x38: {  	s15 =	sadd.s32 s15, s16  }
0x39: {  	s18 =	sadd.s32 $0x40, s18;
	[tilespmem:s15+$0x1830 ss:$0x81] =	vst.msk $0xffff, v3  }
.Ltmp4:
0x3a: {  	_ = 	snop;
	(pc) =	sbr.rel .LBB1_4-.Ltmp4, $1  }
0x3b: {  	_ =	sdelay $0x3  }
.LBB1_6:
0x3c: {  	_ =	sfence.sel $0x180000  }
0x3d: {  	s2 =	simm.s32 $0x1;
	[bflag:$0x0] =	sbarrier.arrive $0xFFFF  }
0x3e: {  	s31 =	simm.s32 $0x2;
	[sflag:s2] =	ssyncpa.u1 $0x1  }
0x3f: {  	[sflag:s31] =	ssyncpa.u1 $0x1  }
0x40: {  	p0 =	sne.s32 s0, $0x0;
	_ =	strace $0x9000004A  }
0x41: {  	s0 =	sadd.s32 @!p0 $0x100000, s1;
	[bflag:$0x2] =	sbarrier.arrive $0xFFFF  }
0x42: {  	[sflag:s0] =	ssyncadd.tile.s32 @!p0 $0x1;
	_ =	shalt  }
.Lfunc_end1:
_tile_overlayer_lowered:
.L_overlay_start_2:
0x43: {  	(tag) =	ssettag $0x2  }
0x44: {  	s0 =	rddreg [dreg:$0x0];
	s2 =	stileid.u32  }
0x45: {  	s1 =	rddreg [dreg:$0x1];
	p0 =	sne.s32 s2, $0x0  }
0x46: {  	s3 =	rddreg [dreg:$0x2];
	[bflag:$0x3] =	sbarrier.arrive $0xFFFF;
	s2 =	simm.s32 @!p0 $0x1C01  }
0x47: {  	[timem:s3], [sflag:s2] =	dma.local @!p0 [hbm:s0], s1  }
0x48: {  	s0 =	simm.s32 @!p0 $0x1  }
0x49: {  	_ =	swait.ge @!p0 [sflag:s0], s1  }
0x4a: {  	s1 =	ssub.s32 @!p0 $0x0, s1;
	[sflag:s0] =	ssyncset.done @!p0 $0x0  }
0x4b: {  	[sflag:s0] =	ssyncadd.s32 @!p0 s1  }
0x4c: {  	[bflag:$0x3] =	sbarrier.arrive $0xFFFF  }
0x4d: {  	_ =	shalt  }

</sc_bundles>
